<compile_context>
chip_gen: v7x
topology: tpu7x:2x2x1
jax: 0.10.2.dev20260603
libtpu: 0.0.44.dev20260713+nightly
codegen_flags: <defaults>
</compile_context>

<pallas_src>
import functools

import jax
import jax.numpy as jnp
from jax import lax
from jax.experimental import pallas as pl
from jax.experimental.pallas import tpu as pltpu
from jax.experimental.pallas import tpu_sc as plsc

_D_MODEL = 768
_NUM_EXPERTS = 8
_TOP_K = 2
_BLOCK_ROWS = 4096

_NUM_SC = 2
_NUM_SUBCORES = 16
_NW = _NUM_SC * _NUM_SUBCORES
_LANES = 16


def _matmul_body(x_ref, wt_ref, logits_ref):
    x_blk = x_ref[...]
    wt = wt_ref[...]
    logits = jnp.dot(x_blk, wt, preferred_element_type=jnp.float32)
    logits_ref[...] = logits.T


def _gate_logits(xf, wt, n):
    return pl.pallas_call(
        _matmul_body,
        grid=(n // _BLOCK_ROWS,),
        in_specs=[
            pl.BlockSpec((_BLOCK_ROWS, _D_MODEL), lambda i: (i, 0)),
            pl.BlockSpec((_D_MODEL, _NUM_EXPERTS), lambda i: (0, 0)),
        ],
        out_specs=pl.BlockSpec((_NUM_EXPERTS, _BLOCK_ROWS), lambda i: (0, i)),
        out_shape=jax.ShapeDtypeStruct((_NUM_EXPERTS, n), jnp.float32),
    )(xf, wt)


def _make_sc_router(n):
    tw = n // _NW
    mesh = plsc.VectorSubcoreMesh(
        core_axis_name="c", subcore_axis_name="s",
        num_cores=_NUM_SC, num_subcores=_NUM_SUBCORES)

    @functools.partial(
        pl.kernel,
        mesh=mesh,
        out_type=[
            jax.ShapeDtypeStruct((n * _NUM_EXPERTS,), jnp.float32),
            jax.ShapeDtypeStruct((n * _TOP_K,), jnp.float32),
            jax.ShapeDtypeStruct((n * _TOP_K,), jnp.int32),
        ],
        scratch_types=(
            [pltpu.VMEM((_NUM_EXPERTS, tw), jnp.float32)]
            + [pltpu.VMEM((tw * _NUM_EXPERTS,), jnp.float32),
               pltpu.VMEM((tw * _TOP_K,), jnp.float32),
               pltpu.VMEM((tw * _TOP_K,), jnp.int32)]
        ),
        compiler_params=pltpu.CompilerParams(needs_layout_passes=False, use_tc_tiling_on_sc=True),
    )
    def sc_router(logits_hbm, probs_hbm, w_hbm, idx_hbm,
                  lbuf, pbuf, wbuf, ibuf):
        wid = lax.axis_index("s") * _NUM_SC + lax.axis_index("c")
        base = wid * tw
        pltpu.sync_copy(logits_hbm.at[:, pl.ds(base, tw)], lbuf)

        def step(j, carry):
            t0 = j * _LANES
            ls = [lbuf[e, pl.ds(t0, _LANES)] for e in range(_NUM_EXPERTS)]
            m = ls[0]
            for e in range(1, _NUM_EXPERTS):
                m = jnp.maximum(m, ls[e])
            es = [jnp.exp(l - m) for l in ls]
            s = es[0]
            for e in range(1, _NUM_EXPERTS):
                s = s + es[e]
            r = 1.0 / s

            iot = lax.iota(jnp.int32, _LANES)
            pb = t0 * _NUM_EXPERTS + iot * _NUM_EXPERTS
            for e in range(_NUM_EXPERTS):
                plsc.store_scatter(pbuf, [pb + e], es[e] * r)

            eight = jnp.full((_LANES,), _NUM_EXPERTS, jnp.int32)
            i1 = eight
            for e in range(_NUM_EXPERTS):
                cand = jnp.where(ls[e] == m,
                                 jnp.full((_LANES,), e, jnp.int32), eight)
                i1 = jnp.minimum(i1, cand)
            neg = jnp.full((_LANES,), -jnp.inf, jnp.float32)
            m2 = neg
            for e in range(_NUM_EXPERTS):
                le = jnp.where(i1 == e, neg, ls[e])
                m2 = jnp.maximum(m2, le)
            i2 = eight
            for e in range(_NUM_EXPERTS):
                le = jnp.where(i1 == e, neg, ls[e])
                cand = jnp.where(le == m2,
                                 jnp.full((_LANES,), e, jnp.int32), eight)
                i2 = jnp.minimum(i2, cand)

            p1 = r
            p2 = jnp.exp(m2 - m) * r
            ws = p1 + p2 + 1e-9
            wb = t0 * _TOP_K + iot * _TOP_K
            plsc.store_scatter(wbuf, [wb], p1 / ws)
            plsc.store_scatter(wbuf, [wb + 1], p2 / ws)
            plsc.store_scatter(ibuf, [wb], i1)
            plsc.store_scatter(ibuf, [wb + 1], i2)
            return carry

        lax.fori_loop(0, tw // _LANES, step, 0)

        pltpu.sync_copy(pbuf, probs_hbm.at[pl.ds(base * _NUM_EXPERTS,
                                                 tw * _NUM_EXPERTS)])
        pltpu.sync_copy(wbuf, w_hbm.at[pl.ds(base * _TOP_K, tw * _TOP_K)])
        pltpu.sync_copy(ibuf, idx_hbm.at[pl.ds(base * _TOP_K, tw * _TOP_K)])

    return sc_router


def kernel(x, W):
    B, S, D = x.shape
    n = B * S
    xf = x.reshape(n, D)
    wt = W.T

    logits_t = _gate_logits(xf, wt, n)
    probs_f, w_f, idx_f = _make_sc_router(n)(logits_t)

    return (w_f.reshape(B, S, _TOP_K),
            idx_f.reshape(B, S, _TOP_K),
            probs_f.reshape(B, S, _NUM_EXPERTS))

# --- scband reference (transcript-rebuilt; emitter-appended) ---
"""Pipeline reference for scband-top-krouter-15796889715414 (READ-ONLY COPY).

The authoritative reference and input builder live on the scoring server;
editing this copy changes nothing except your own understanding.
"""

import jax, jax.numpy as jnp
import numpy as np

D_MODEL = 768
NUM_EXPERTS = 8
TOP_K = 2

def setup_inputs(seed: int = 0) -> dict:
    key = jax.random.key(seed)
    k1, k2 = jax.random.split(key)
    x = jax.random.normal(k1, (4, 8192, D_MODEL), dtype=jnp.float32)
    # nn.Linear(d_model, num_experts, bias=False) weight: [num_experts, d_model]
    W = jax.random.normal(k2, (NUM_EXPERTS, D_MODEL), dtype=jnp.float32) * (1.0 / np.sqrt(D_MODEL))
    return {"x": x, "W": W}

def reference(x, W):
    # logits = gate(x): [B, S, E]
    logits = jnp.einsum('bsd,ed->bse', x, W)
    router_probs = jax.nn.softmax(logits, axis=-1)
    top_k_weights, top_k_indices = jax.lax.top_k(router_probs, TOP_K)
    top_k_weights = top_k_weights / (jnp.sum(top_k_weights, axis=-1, keepdims=True) + 1e-09)
    return (top_k_weights, top_k_indices, router_probs)

if __name__ == "__main__":
    import jax
    _d = setup_inputs()
    print(jax.jit(kernel)(*tuple(_d.values())))

</pallas_src>

<mosaic_0001>
#map = affine_map<(d0, d1) -> (0, 0)>
#map1 = affine_map<(d0, d1) -> (0)>
module attributes {stable_mosaic.version = 14 : i64} {
  func.func @sc_router(%arg0: i32, %arg1: i32, %arg2: memref<8x32768xf32, #tpu.memory_space<hbm>>, %arg3: memref<262144xf32, #tpu.memory_space<hbm>>, %arg4: memref<65536xf32, #tpu.memory_space<hbm>>, %arg5: memref<65536xi32, #tpu.memory_space<hbm>>, %arg6: memref<8x1024xf32, #tpu.memory_space<vmem>>, %arg7: memref<8192xf32, #tpu.memory_space<vmem>>, %arg8: memref<2048xf32, #tpu.memory_space<vmem>>, %arg9: memref<2048xi32, #tpu.memory_space<vmem>>) attributes {dimension_semantics = [#tpu.dimension_semantics<core_parallel>, #tpu.dimension_semantics<subcore_parallel>], iteration_bounds = array<i64: 2, 16>, scalar_prefetch = 0 : i64, scratch_operands = 4 : i64, tpu.core_type = #tpu.core_type<sc_vector_subcore>, window_params = [{transform_indices = #map}, {transform_indices = #map1}, {transform_indices = #map1}, {transform_indices = #map1}]} {
    %mul3A = arith.constant 2 : i32
    %mul3A_0 = arith.muli %arg1, %mul3A : i32
    %add3A = arith.addi %mul3A_0, %arg0 : i32
    %mul3A_1 = arith.constant 1024 : i32
    %mul3A_2 = arith.muli %add3A, %mul3A_1 : i32
    "tpu.region"() ({
      %run_scoped3A = tpu.sem_alloc : memref<!tpu.dma_semaphore, #tpu.memory_space<semaphore_mem>>
      %dma_start3A = arith.constant 0 : i32
      %dma_start3A_14 = tpu.memref_slice %arg2[%dma_start3A, %mul3A_2] : memref<8x32768xf32, #tpu.memory_space<hbm>> -> memref<8x1024xf32, #tpu.memory_space<hbm>>
      %dma_start3A_15 = arith.constant 0 : i32
      %dma_start3A_16 = tpu.memref_slice %arg2[%dma_start3A_15, %mul3A_2] : memref<8x32768xf32, #tpu.memory_space<hbm>> -> memref<8x1024xf32, #tpu.memory_space<hbm>>
      tpu.enqueue_dma source(%dma_start3A_16 : memref<8x1024xf32, #tpu.memory_space<hbm>>) target(%arg6 : memref<8x1024xf32, #tpu.memory_space<vmem>>) target_semaphore(%run_scoped3A : memref<!tpu.dma_semaphore, #tpu.memory_space<semaphore_mem>>)
      %dma_wait3A = arith.constant 0 : i32
      %dma_wait3A_17 = tpu.memref_slice %arg2[%dma_wait3A, %mul3A_2] : memref<8x32768xf32, #tpu.memory_space<hbm>> -> memref<8x1024xf32, #tpu.memory_space<hbm>>
      %dma_wait3A_18 = arith.constant 0 : i32
      %dma_wait3A_19 = tpu.memref_slice %arg2[%dma_wait3A_18, %mul3A_2] : memref<8x32768xf32, #tpu.memory_space<hbm>> -> memref<8x1024xf32, #tpu.memory_space<hbm>>
      tpu.wait_dma2 semaphore(%run_scoped3A : memref<!tpu.dma_semaphore, #tpu.memory_space<semaphore_mem>>) src(%dma_wait3A_19 : memref<8x1024xf32, #tpu.memory_space<hbm>>) dst(%arg6 : memref<8x1024xf32, #tpu.memory_space<vmem>>)
      tpu.yield
    }) : () -> ()
    %scan3A = arith.constant 0 : i32
    %scan3A_3 = arith.constant 0 : i32
    %scan3A_4 = arith.constant 64 : i32
    %scan3A_5 = arith.addi %scan3A_3, %scan3A_4 : i32
    %scan3A_6 = arith.constant 1 : i32
    scf.for %scan3A_14 = %scan3A_3 to %scan3A_5 step %scan3A_6  : i32 {
      %mul3A_15 = arith.constant 16 : i32
      %mul3A_16 = arith.muli %scan3A_14, %mul3A_15 : i32
      %get3A = arith.constant 0 : i32
      %get3A_17 = arith.index_cast %get3A : i32 to index
      %get3A_18 = arith.index_cast %mul3A_16 : i32 to index
      %get3A_19 = tpu.vector_load %arg6[%get3A_17, %get3A_18] {strides = array<i32>} : memref<8x1024xf32, #tpu.memory_space<vmem>>, vector<16xf32>,
      %get3A_20 = arith.constant 1 : i32
      %get3A_21 = arith.index_cast %get3A_20 : i32 to index
      %get3A_22 = arith.index_cast %mul3A_16 : i32 to index
      %get3A_23 = tpu.vector_load %arg6[%get3A_21, %get3A_22] {strides = array<i32>} : memref<8x1024xf32, #tpu.memory_space<vmem>>, vector<16xf32>,
      %get3A_24 = arith.constant 2 : i32
      %get3A_25 = arith.index_cast %get3A_24 : i32 to index
      %get3A_26 = arith.index_cast %mul3A_16 : i32 to index
      %get3A_27 = tpu.vector_load %arg6[%get3A_25, %get3A_26] {strides = array<i32>} : memref<8x1024xf32, #tpu.memory_space<vmem>>, vector<16xf32>,
      %get3A_28 = arith.constant 3 : i32
      %get3A_29 = arith.index_cast %get3A_28 : i32 to index
      %get3A_30 = arith.index_cast %mul3A_16 : i32 to index
      %get3A_31 = tpu.vector_load %arg6[%get3A_29, %get3A_30] {strides = array<i32>} : memref<8x1024xf32, #tpu.memory_space<vmem>>, vector<16xf32>,
      %get3A_32 = arith.constant 4 : i32
      %get3A_33 = arith.index_cast %get3A_32 : i32 to index
      %get3A_34 = arith.index_cast %mul3A_16 : i32 to index
      %get3A_35 = tpu.vector_load %arg6[%get3A_33, %get3A_34] {strides = array<i32>} : memref<8x1024xf32, #tpu.memory_space<vmem>>, vector<16xf32>,
      %get3A_36 = arith.constant 5 : i32
      %get3A_37 = arith.index_cast %get3A_36 : i32 to index
      %get3A_38 = arith.index_cast %mul3A_16 : i32 to index
      %get3A_39 = tpu.vector_load %arg6[%get3A_37, %get3A_38] {strides = array<i32>} : memref<8x1024xf32, #tpu.memory_space<vmem>>, vector<16xf32>,
      %get3A_40 = arith.constant 6 : i32
      %get3A_41 = arith.index_cast %get3A_40 : i32 to index
      %get3A_42 = arith.index_cast %mul3A_16 : i32 to index
      %get3A_43 = tpu.vector_load %arg6[%get3A_41, %get3A_42] {strides = array<i32>} : memref<8x1024xf32, #tpu.memory_space<vmem>>, vector<16xf32>,
      %get3A_44 = arith.constant 7 : i32
      %get3A_45 = arith.index_cast %get3A_44 : i32 to index
      %get3A_46 = arith.index_cast %mul3A_16 : i32 to index
      %get3A_47 = tpu.vector_load %arg6[%get3A_45, %get3A_46] {strides = array<i32>} : memref<8x1024xf32, #tpu.memory_space<vmem>>, vector<16xf32>,
      %max3A = arith.maximumf %get3A_19, %get3A_23 : vector<16xf32>
      %max3A_48 = arith.maximumf %max3A, %get3A_27 : vector<16xf32>
      %max3A_49 = arith.maximumf %max3A_48, %get3A_31 : vector<16xf32>
      %max3A_50 = arith.maximumf %max3A_49, %get3A_35 : vector<16xf32>
      %max3A_51 = arith.maximumf %max3A_50, %get3A_39 : vector<16xf32>
      %max3A_52 = arith.maximumf %max3A_51, %get3A_43 : vector<16xf32>
      %max3A_53 = arith.maximumf %max3A_52, %get3A_47 : vector<16xf32>
      %sub3A = arith.subf %get3A_19, %max3A_53 : vector<16xf32>
      %exp3A = math.exp %sub3A : vector<16xf32>
      %sub3A_54 = arith.subf %get3A_23, %max3A_53 : vector<16xf32>
      %exp3A_55 = math.exp %sub3A_54 : vector<16xf32>
      %sub3A_56 = arith.subf %get3A_27, %max3A_53 : vector<16xf32>
      %exp3A_57 = math.exp %sub3A_56 : vector<16xf32>
      %sub3A_58 = arith.subf %get3A_31, %max3A_53 : vector<16xf32>
      %exp3A_59 = math.exp %sub3A_58 : vector<16xf32>
      %sub3A_60 = arith.subf %get3A_35, %max3A_53 : vector<16xf32>
      %exp3A_61 = math.exp %sub3A_60 : vector<16xf32>
      %sub3A_62 = arith.subf %get3A_39, %max3A_53 : vector<16xf32>
      %exp3A_63 = math.exp %sub3A_62 : vector<16xf32>
      %sub3A_64 = arith.subf %get3A_43, %max3A_53 : vector<16xf32>
      %exp3A_65 = math.exp %sub3A_64 : vector<16xf32>
      %sub3A_66 = arith.subf %get3A_47, %max3A_53 : vector<16xf32>
      %exp3A_67 = math.exp %sub3A_66 : vector<16xf32>
      %add3A_68 = arith.addf %exp3A, %exp3A_55 : vector<16xf32>
      %add3A_69 = arith.addf %add3A_68, %exp3A_57 : vector<16xf32>
      %add3A_70 = arith.addf %add3A_69, %exp3A_59 : vector<16xf32>
      %add3A_71 = arith.addf %add3A_70, %exp3A_61 : vector<16xf32>
      %add3A_72 = arith.addf %add3A_71, %exp3A_63 : vector<16xf32>
      %add3A_73 = arith.addf %add3A_72, %exp3A_65 : vector<16xf32>
      %add3A_74 = arith.addf %add3A_73, %exp3A_67 : vector<16xf32>
      %div3A = arith.constant 1.000000e+00 : f32
      %div3A_75 = vector.broadcast %div3A : f32 to vector<16xf32>
      %div3A_76 = arith.divf %div3A_75, %add3A_74 : vector<16xf32>
      %iota3A = tpu.iota {dimensions = array<i32: 0>} : vector<16xi32>
      %mul3A_77 = arith.constant 8 : i32
      %mul3A_78 = arith.muli %mul3A_16, %mul3A_77 : i32
      %mul3A_79 = arith.constant 8 : i32
      %mul3A_80 = vector.broadcast %mul3A_79 : i32 to vector<16xi32>
      %mul3A_81 = arith.muli %iota3A, %mul3A_80 : vector<16xi32>
      %add3A_82 = vector.broadcast %mul3A_78 : i32 to vector<16xi32>
      %add3A_83 = arith.addi %add3A_82, %mul3A_81 : vector<16xi32>
      %add3A_84 = arith.constant 0 : i32
      %add3A_85 = vector.broadcast %add3A_84 : i32 to vector<16xi32>
      %add3A_86 = arith.addi %add3A_83, %add3A_85 : vector<16xi32>
      %mul3A_87 = arith.mulf %exp3A, %div3A_76 : vector<16xf32>
      tpu.vector_store_idx %arg7[%add3A_86], %mul3A_87 : memref<8192xf32, #tpu.memory_space<vmem>>[vector<16xi32>], vector<16xf32>,
      %add3A_88 = arith.constant 1 : i32
      %add3A_89 = vector.broadcast %add3A_88 : i32 to vector<16xi32>
      %add3A_90 = arith.addi %add3A_83, %add3A_89 : vector<16xi32>
      %mul3A_91 = arith.mulf %exp3A_55, %div3A_76 : vector<16xf32>
      tpu.vector_store_idx %arg7[%add3A_90], %mul3A_91 : memref<8192xf32, #tpu.memory_space<vmem>>[vector<16xi32>], vector<16xf32>,
      %add3A_92 = arith.constant 2 : i32
      %add3A_93 = vector.broadcast %add3A_92 : i32 to vector<16xi32>
      %add3A_94 = arith.addi %add3A_83, %add3A_93 : vector<16xi32>
      %mul3A_95 = arith.mulf %exp3A_57, %div3A_76 : vector<16xf32>
      tpu.vector_store_idx %arg7[%add3A_94], %mul3A_95 : memref<8192xf32, #tpu.memory_space<vmem>>[vector<16xi32>], vector<16xf32>,
      %add3A_96 = arith.constant 3 : i32
      %add3A_97 = vector.broadcast %add3A_96 : i32 to vector<16xi32>
      %add3A_98 = arith.addi %add3A_83, %add3A_97 : vector<16xi32>
      %mul3A_99 = arith.mulf %exp3A_59, %div3A_76 : vector<16xf32>
      tpu.vector_store_idx %arg7[%add3A_98], %mul3A_99 : memref<8192xf32, #tpu.memory_space<vmem>>[vector<16xi32>], vector<16xf32>,
      %add3A_100 = arith.constant 4 : i32
      %add3A_101 = vector.broadcast %add3A_100 : i32 to vector<16xi32>
      %add3A_102 = arith.addi %add3A_83, %add3A_101 : vector<16xi32>
      %mul3A_103 = arith.mulf %exp3A_61, %div3A_76 : vector<16xf32>
      tpu.vector_store_idx %arg7[%add3A_102], %mul3A_103 : memref<8192xf32, #tpu.memory_space<vmem>>[vector<16xi32>], vector<16xf32>,
      %add3A_104 = arith.constant 5 : i32
      %add3A_105 = vector.broadcast %add3A_104 : i32 to vector<16xi32>
      %add3A_106 = arith.addi %add3A_83, %add3A_105 : vector<16xi32>
      %mul3A_107 = arith.mulf %exp3A_63, %div3A_76 : vector<16xf32>
      tpu.vector_store_idx %arg7[%add3A_106], %mul3A_107 : memref<8192xf32, #tpu.memory_space<vmem>>[vector<16xi32>], vector<16xf32>,
      %add3A_108 = arith.constant 6 : i32
      %add3A_109 = vector.broadcast %add3A_108 : i32 to vector<16xi32>
      %add3A_110 = arith.addi %add3A_83, %add3A_109 : vector<16xi32>
      %mul3A_111 = arith.mulf %exp3A_65, %div3A_76 : vector<16xf32>
      tpu.vector_store_idx %arg7[%add3A_110], %mul3A_111 : memref<8192xf32, #tpu.memory_space<vmem>>[vector<16xi32>], vector<16xf32>,
      %add3A_112 = arith.constant 7 : i32
      %add3A_113 = vector.broadcast %add3A_112 : i32 to vector<16xi32>
      %add3A_114 = arith.addi %add3A_83, %add3A_113 : vector<16xi32>
      %mul3A_115 = arith.mulf %exp3A_67, %div3A_76 : vector<16xf32>
      tpu.vector_store_idx %arg7[%add3A_114], %mul3A_115 : memref<8192xf32, #tpu.memory_space<vmem>>[vector<16xi32>], vector<16xf32>,
      %broadcast_in_dim3A = arith.constant 8 : i32
      %broadcast_in_dim3A_116 = vector.broadcast %broadcast_in_dim3A : i32 to vector<16xi32>
      %eq3A = arith.cmpf oeq, %get3A_19, %max3A_53 : vector<16xf32>
      %broadcast_in_dim3A_117 = arith.constant 0 : i32
      %broadcast_in_dim3A_118 = vector.broadcast %broadcast_in_dim3A_117 : i32 to vector<16xi32>
      %select_n3A = arith.select %eq3A, %broadcast_in_dim3A_118, %broadcast_in_dim3A_116 : vector<16xi1>, vector<16xi32>
      %min3A = arith.minsi %broadcast_in_dim3A_116, %select_n3A : vector<16xi32>
      %eq3A_119 = arith.cmpf oeq, %get3A_23, %max3A_53 : vector<16xf32>
      %broadcast_in_dim3A_120 = arith.constant 1 : i32
      %broadcast_in_dim3A_121 = vector.broadcast %broadcast_in_dim3A_120 : i32 to vector<16xi32>
      %select_n3A_122 = arith.select %eq3A_119, %broadcast_in_dim3A_121, %broadcast_in_dim3A_116 : vector<16xi1>, vector<16xi32>
      %min3A_123 = arith.minsi %min3A, %select_n3A_122 : vector<16xi32>
      %eq3A_124 = arith.cmpf oeq, %get3A_27, %max3A_53 : vector<16xf32>
      %broadcast_in_dim3A_125 = arith.constant 2 : i32
      %broadcast_in_dim3A_126 = vector.broadcast %broadcast_in_dim3A_125 : i32 to vector<16xi32>
      %select_n3A_127 = arith.select %eq3A_124, %broadcast_in_dim3A_126, %broadcast_in_dim3A_116 : vector<16xi1>, vector<16xi32>
      %min3A_128 = arith.minsi %min3A_123, %select_n3A_127 : vector<16xi32>
      %eq3A_129 = arith.cmpf oeq, %get3A_31, %max3A_53 : vector<16xf32>
      %broadcast_in_dim3A_130 = arith.constant 3 : i32
      %broadcast_in_dim3A_131 = vector.broadcast %broadcast_in_dim3A_130 : i32 to vector<16xi32>
      %select_n3A_132 = arith.select %eq3A_129, %broadcast_in_dim3A_131, %broadcast_in_dim3A_116 : vector<16xi1>, vector<16xi32>
      %min3A_133 = arith.minsi %min3A_128, %select_n3A_132 : vector<16xi32>
      %eq3A_134 = arith.cmpf oeq, %get3A_35, %max3A_53 : vector<16xf32>
      %broadcast_in_dim3A_135 = arith.constant 4 : i32
      %broadcast_in_dim3A_136 = vector.broadcast %broadcast_in_dim3A_135 : i32 to vector<16xi32>
      %select_n3A_137 = arith.select %eq3A_134, %broadcast_in_dim3A_136, %broadcast_in_dim3A_116 : vector<16xi1>, vector<16xi32>
      %min3A_138 = arith.minsi %min3A_133, %select_n3A_137 : vector<16xi32>
      %eq3A_139 = arith.cmpf oeq, %get3A_39, %max3A_53 : vector<16xf32>
      %broadcast_in_dim3A_140 = arith.constant 5 : i32
      %broadcast_in_dim3A_141 = vector.broadcast %broadcast_in_dim3A_140 : i32 to vector<16xi32>
      %select_n3A_142 = arith.select %eq3A_139, %broadcast_in_dim3A_141, %broadcast_in_dim3A_116 : vector<16xi1>, vector<16xi32>
      %min3A_143 = arith.minsi %min3A_138, %select_n3A_142 : vector<16xi32>
      %eq3A_144 = arith.cmpf oeq, %get3A_43, %max3A_53 : vector<16xf32>
      %broadcast_in_dim3A_145 = arith.constant 6 : i32
      %broadcast_in_dim3A_146 = vector.broadcast %broadcast_in_dim3A_145 : i32 to vector<16xi32>
      %select_n3A_147 = arith.select %eq3A_144, %broadcast_in_dim3A_146, %broadcast_in_dim3A_116 : vector<16xi1>, vector<16xi32>
      %min3A_148 = arith.minsi %min3A_143, %select_n3A_147 : vector<16xi32>
      %eq3A_149 = arith.cmpf oeq, %get3A_47, %max3A_53 : vector<16xf32>
      %broadcast_in_dim3A_150 = arith.constant 7 : i32
      %broadcast_in_dim3A_151 = vector.broadcast %broadcast_in_dim3A_150 : i32 to vector<16xi32>
      %select_n3A_152 = arith.select %eq3A_149, %broadcast_in_dim3A_151, %broadcast_in_dim3A_116 : vector<16xi1>, vector<16xi32>
      %min3A_153 = arith.minsi %min3A_148, %select_n3A_152 : vector<16xi32>
      %broadcast_in_dim3A_154 = arith.constant 0xFF800000 : f32
      %broadcast_in_dim3A_155 = vector.broadcast %broadcast_in_dim3A_154 : f32 to vector<16xf32>
      %eq3A_156 = arith.constant 0 : i32
      %eq3A_157 = vector.broadcast %eq3A_156 : i32 to vector<16xi32>
      %eq3A_158 = arith.cmpi eq, %min3A_153, %eq3A_157 : vector<16xi32>
      %select_n3A_159 = arith.select %eq3A_158, %broadcast_in_dim3A_155, %get3A_19 : vector<16xi1>, vector<16xf32>
      %max3A_160 = arith.maximumf %broadcast_in_dim3A_155, %select_n3A_159 : vector<16xf32>
      %eq3A_161 = arith.constant 1 : i32
      %eq3A_162 = vector.broadcast %eq3A_161 : i32 to vector<16xi32>
      %eq3A_163 = arith.cmpi eq, %min3A_153, %eq3A_162 : vector<16xi32>
      %select_n3A_164 = arith.select %eq3A_163, %broadcast_in_dim3A_155, %get3A_23 : vector<16xi1>, vector<16xf32>
      %max3A_165 = arith.maximumf %max3A_160, %select_n3A_164 : vector<16xf32>
      %eq3A_166 = arith.constant 2 : i32
      %eq3A_167 = vector.broadcast %eq3A_166 : i32 to vector<16xi32>
      %eq3A_168 = arith.cmpi eq, %min3A_153, %eq3A_167 : vector<16xi32>
      %select_n3A_169 = arith.select %eq3A_168, %broadcast_in_dim3A_155, %get3A_27 : vector<16xi1>, vector<16xf32>
      %max3A_170 = arith.maximumf %max3A_165, %select_n3A_169 : vector<16xf32>
      %eq3A_171 = arith.constant 3 : i32
      %eq3A_172 = vector.broadcast %eq3A_171 : i32 to vector<16xi32>
      %eq3A_173 = arith.cmpi eq, %min3A_153, %eq3A_172 : vector<16xi32>
      %select_n3A_174 = arith.select %eq3A_173, %broadcast_in_dim3A_155, %get3A_31 : vector<16xi1>, vector<16xf32>
      %max3A_175 = arith.maximumf %max3A_170, %select_n3A_174 : vector<16xf32>
      %eq3A_176 = arith.constant 4 : i32
      %eq3A_177 = vector.broadcast %eq3A_176 : i32 to vector<16xi32>
      %eq3A_178 = arith.cmpi eq, %min3A_153, %eq3A_177 : vector<16xi32>
      %select_n3A_179 = arith.select %eq3A_178, %broadcast_in_dim3A_155, %get3A_35 : vector<16xi1>, vector<16xf32>
      %max3A_180 = arith.maximumf %max3A_175, %select_n3A_179 : vector<16xf32>
      %eq3A_181 = arith.constant 5 : i32
      %eq3A_182 = vector.broadcast %eq3A_181 : i32 to vector<16xi32>
      %eq3A_183 = arith.cmpi eq, %min3A_153, %eq3A_182 : vector<16xi32>
      %select_n3A_184 = arith.select %eq3A_183, %broadcast_in_dim3A_155, %get3A_39 : vector<16xi1>, vector<16xf32>
      %max3A_185 = arith.maximumf %max3A_180, %select_n3A_184 : vector<16xf32>
      %eq3A_186 = arith.constant 6 : i32
      %eq3A_187 = vector.broadcast %eq3A_186 : i32 to vector<16xi32>
      %eq3A_188 = arith.cmpi eq, %min3A_153, %eq3A_187 : vector<16xi32>
      %select_n3A_189 = arith.select %eq3A_188, %broadcast_in_dim3A_155, %get3A_43 : vector<16xi1>, vector<16xf32>
      %max3A_190 = arith.maximumf %max3A_185, %select_n3A_189 : vector<16xf32>
      %eq3A_191 = arith.constant 7 : i32
      %eq3A_192 = vector.broadcast %eq3A_191 : i32 to vector<16xi32>
      %eq3A_193 = arith.cmpi eq, %min3A_153, %eq3A_192 : vector<16xi32>
      %select_n3A_194 = arith.select %eq3A_193, %broadcast_in_dim3A_155, %get3A_47 : vector<16xi1>, vector<16xf32>
      %max3A_195 = arith.maximumf %max3A_190, %select_n3A_194 : vector<16xf32>
      %eq3A_196 = arith.constant 0 : i32
      %eq3A_197 = vector.broadcast %eq3A_196 : i32 to vector<16xi32>
      %eq3A_198 = arith.cmpi eq, %min3A_153, %eq3A_197 : vector<16xi32>
      %select_n3A_199 = arith.select %eq3A_198, %broadcast_in_dim3A_155, %get3A_19 : vector<16xi1>, vector<16xf32>
      %eq3A_200 = arith.cmpf oeq, %select_n3A_199, %max3A_195 : vector<16xf32>
      %broadcast_in_dim3A_201 = arith.constant 0 : i32
      %broadcast_in_dim3A_202 = vector.broadcast %broadcast_in_dim3A_201 : i32 to vector<16xi32>
      %select_n3A_203 = arith.select %eq3A_200, %broadcast_in_dim3A_202, %broadcast_in_dim3A_116 : vector<16xi1>, vector<16xi32>
      %min3A_204 = arith.minsi %broadcast_in_dim3A_116, %select_n3A_203 : vector<16xi32>
      %eq3A_205 = arith.constant 1 : i32
      %eq3A_206 = vector.broadcast %eq3A_205 : i32 to vector<16xi32>
      %eq3A_207 = arith.cmpi eq, %min3A_153, %eq3A_206 : vector<16xi32>
      %select_n3A_208 = arith.select %eq3A_207, %broadcast_in_dim3A_155, %get3A_23 : vector<16xi1>, vector<16xf32>
      %eq3A_209 = arith.cmpf oeq, %select_n3A_208, %max3A_195 : vector<16xf32>
      %broadcast_in_dim3A_210 = arith.constant 1 : i32
      %broadcast_in_dim3A_211 = vector.broadcast %broadcast_in_dim3A_210 : i32 to vector<16xi32>
      %select_n3A_212 = arith.select %eq3A_209, %broadcast_in_dim3A_211, %broadcast_in_dim3A_116 : vector<16xi1>, vector<16xi32>
      %min3A_213 = arith.minsi %min3A_204, %select_n3A_212 : vector<16xi32>
      %eq3A_214 = arith.constant 2 : i32
      %eq3A_215 = vector.broadcast %eq3A_214 : i32 to vector<16xi32>
      %eq3A_216 = arith.cmpi eq, %min3A_153, %eq3A_215 : vector<16xi32>
      %select_n3A_217 = arith.select %eq3A_216, %broadcast_in_dim3A_155, %get3A_27 : vector<16xi1>, vector<16xf32>
      %eq3A_218 = arith.cmpf oeq, %select_n3A_217, %max3A_195 : vector<16xf32>
      %broadcast_in_dim3A_219 = arith.constant 2 : i32
      %broadcast_in_dim3A_220 = vector.broadcast %broadcast_in_dim3A_219 : i32 to vector<16xi32>
      %select_n3A_221 = arith.select %eq3A_218, %broadcast_in_dim3A_220, %broadcast_in_dim3A_116 : vector<16xi1>, vector<16xi32>
      %min3A_222 = arith.minsi %min3A_213, %select_n3A_221 : vector<16xi32>
      %eq3A_223 = arith.constant 3 : i32
      %eq3A_224 = vector.broadcast %eq3A_223 : i32 to vector<16xi32>
      %eq3A_225 = arith.cmpi eq, %min3A_153, %eq3A_224 : vector<16xi32>
      %select_n3A_226 = arith.select %eq3A_225, %broadcast_in_dim3A_155, %get3A_31 : vector<16xi1>, vector<16xf32>
      %eq3A_227 = arith.cmpf oeq, %select_n3A_226, %max3A_195 : vector<16xf32>
      %broadcast_in_dim3A_228 = arith.constant 3 : i32
      %broadcast_in_dim3A_229 = vector.broadcast %broadcast_in_dim3A_228 : i32 to vector<16xi32>
      %select_n3A_230 = arith.select %eq3A_227, %broadcast_in_dim3A_229, %broadcast_in_dim3A_116 : vector<16xi1>, vector<16xi32>
      %min3A_231 = arith.minsi %min3A_222, %select_n3A_230 : vector<16xi32>
      %eq3A_232 = arith.constant 4 : i32
      %eq3A_233 = vector.broadcast %eq3A_232 : i32 to vector<16xi32>
      %eq3A_234 = arith.cmpi eq, %min3A_153, %eq3A_233 : vector<16xi32>
      %select_n3A_235 = arith.select %eq3A_234, %broadcast_in_dim3A_155, %get3A_35 : vector<16xi1>, vector<16xf32>
      %eq3A_236 = arith.cmpf oeq, %select_n3A_235, %max3A_195 : vector<16xf32>
      %broadcast_in_dim3A_237 = arith.constant 4 : i32
      %broadcast_in_dim3A_238 = vector.broadcast %broadcast_in_dim3A_237 : i32 to vector<16xi32>
      %select_n3A_239 = arith.select %eq3A_236, %broadcast_in_dim3A_238, %broadcast_in_dim3A_116 : vector<16xi1>, vector<16xi32>
      %min3A_240 = arith.minsi %min3A_231, %select_n3A_239 : vector<16xi32>
      %eq3A_241 = arith.constant 5 : i32
      %eq3A_242 = vector.broadcast %eq3A_241 : i32 to vector<16xi32>
      %eq3A_243 = arith.cmpi eq, %min3A_153, %eq3A_242 : vector<16xi32>
      %select_n3A_244 = arith.select %eq3A_243, %broadcast_in_dim3A_155, %get3A_39 : vector<16xi1>, vector<16xf32>
      %eq3A_245 = arith.cmpf oeq, %select_n3A_244, %max3A_195 : vector<16xf32>
      %broadcast_in_dim3A_246 = arith.constant 5 : i32
      %broadcast_in_dim3A_247 = vector.broadcast %broadcast_in_dim3A_246 : i32 to vector<16xi32>
      %select_n3A_248 = arith.select %eq3A_245, %broadcast_in_dim3A_247, %broadcast_in_dim3A_116 : vector<16xi1>, vector<16xi32>
      %min3A_249 = arith.minsi %min3A_240, %select_n3A_248 : vector<16xi32>
      %eq3A_250 = arith.constant 6 : i32
      %eq3A_251 = vector.broadcast %eq3A_250 : i32 to vector<16xi32>
      %eq3A_252 = arith.cmpi eq, %min3A_153, %eq3A_251 : vector<16xi32>
      %select_n3A_253 = arith.select %eq3A_252, %broadcast_in_dim3A_155, %get3A_43 : vector<16xi1>, vector<16xf32>
      %eq3A_254 = arith.cmpf oeq, %select_n3A_253, %max3A_195 : vector<16xf32>
      %broadcast_in_dim3A_255 = arith.constant 6 : i32
      %broadcast_in_dim3A_256 = vector.broadcast %broadcast_in_dim3A_255 : i32 to vector<16xi32>
      %select_n3A_257 = arith.select %eq3A_254, %broadcast_in_dim3A_256, %broadcast_in_dim3A_116 : vector<16xi1>, vector<16xi32>
      %min3A_258 = arith.minsi %min3A_249, %select_n3A_257 : vector<16xi32>
      %eq3A_259 = arith.constant 7 : i32
      %eq3A_260 = vector.broadcast %eq3A_259 : i32 to vector<16xi32>
      %eq3A_261 = arith.cmpi eq, %min3A_153, %eq3A_260 : vector<16xi32>
      %select_n3A_262 = arith.select %eq3A_261, %broadcast_in_dim3A_155, %get3A_47 : vector<16xi1>, vector<16xf32>
      %eq3A_263 = arith.cmpf oeq, %select_n3A_262, %max3A_195 : vector<16xf32>
      %broadcast_in_dim3A_264 = arith.constant 7 : i32
      %broadcast_in_dim3A_265 = vector.broadcast %broadcast_in_dim3A_264 : i32 to vector<16xi32>
      %select_n3A_266 = arith.select %eq3A_263, %broadcast_in_dim3A_265, %broadcast_in_dim3A_116 : vector<16xi1>, vector<16xi32>
      %min3A_267 = arith.minsi %min3A_258, %select_n3A_266 : vector<16xi32>
      %sub3A_268 = arith.subf %max3A_195, %max3A_53 : vector<16xf32>
      %exp3A_269 = math.exp %sub3A_268 : vector<16xf32>
      %mul3A_270 = arith.mulf %exp3A_269, %div3A_76 : vector<16xf32>
      %add3A_271 = arith.addf %div3A_76, %mul3A_270 : vector<16xf32>
      %add3A_272 = arith.constant 9.99999971E-10 : f32
      %add3A_273 = vector.broadcast %add3A_272 : f32 to vector<16xf32>
      %add3A_274 = arith.addf %add3A_271, %add3A_273 : vector<16xf32>
      %mul3A_275 = arith.constant 2 : i32
      %mul3A_276 = arith.muli %mul3A_16, %mul3A_275 : i32
      %mul3A_277 = arith.constant 2 : i32
      %mul3A_278 = vector.broadcast %mul3A_277 : i32 to vector<16xi32>
      %mul3A_279 = arith.muli %iota3A, %mul3A_278 : vector<16xi32>
      %add3A_280 = vector.broadcast %mul3A_276 : i32 to vector<16xi32>
      %add3A_281 = arith.addi %add3A_280, %mul3A_279 : vector<16xi32>
      %div3A_282 = arith.divf %div3A_76, %add3A_274 : vector<16xf32>
      tpu.vector_store_idx %arg8[%add3A_281], %div3A_282 : memref<2048xf32, #tpu.memory_space<vmem>>[vector<16xi32>], vector<16xf32>,
      %add3A_283 = arith.constant 1 : i32
      %add3A_284 = vector.broadcast %add3A_283 : i32 to vector<16xi32>
      %add3A_285 = arith.addi %add3A_281, %add3A_284 : vector<16xi32>
      %div3A_286 = arith.divf %mul3A_270, %add3A_274 : vector<16xf32>
      tpu.vector_store_idx %arg8[%add3A_285], %div3A_286 : memref<2048xf32, #tpu.memory_space<vmem>>[vector<16xi32>], vector<16xf32>,
      tpu.vector_store_idx %arg9[%add3A_281], %min3A_153 : memref<2048xi32, #tpu.memory_space<vmem>>[vector<16xi32>], vector<16xi32>,
      %add3A_287 = arith.constant 1 : i32
      %add3A_288 = vector.broadcast %add3A_287 : i32 to vector<16xi32>
      %add3A_289 = arith.addi %add3A_281, %add3A_288 : vector<16xi32>
      tpu.vector_store_idx %arg9[%add3A_289], %min3A_267 : memref<2048xi32, #tpu.memory_space<vmem>>[vector<16xi32>], vector<16xi32>,
    }
    %scan3A_7 = arith.constant 64 : i32
    %mul3A_8 = arith.constant 8 : i32
    %mul3A_9 = arith.muli %mul3A_2, %mul3A_8 : i32
    "tpu.region"() ({
      %run_scoped3A = tpu.sem_alloc : memref<!tpu.dma_semaphore, #tpu.memory_space<semaphore_mem>>
      %dma_start3A = tpu.memref_slice %arg3[%mul3A_9] : memref<262144xf32, #tpu.memory_space<hbm>> -> memref<8192xf32, #tpu.memory_space<hbm>>
      %dma_start3A_14 = tpu.memref_slice %arg3[%mul3A_9] : memref<262144xf32, #tpu.memory_space<hbm>> -> memref<8192xf32, #tpu.memory_space<hbm>>
      tpu.enqueue_dma source(%arg7 : memref<8192xf32, #tpu.memory_space<vmem>>) target(%dma_start3A_14 : memref<8192xf32, #tpu.memory_space<hbm>>) target_semaphore(%run_scoped3A : memref<!tpu.dma_semaphore, #tpu.memory_space<semaphore_mem>>)
      %dma_wait3A = tpu.memref_slice %arg3[%mul3A_9] : memref<262144xf32, #tpu.memory_space<hbm>> -> memref<8192xf32, #tpu.memory_space<hbm>>
      %dma_wait3A_15 = tpu.memref_slice %arg3[%mul3A_9] : memref<262144xf32, #tpu.memory_space<hbm>> -> memref<8192xf32, #tpu.memory_space<hbm>>
      tpu.wait_dma2 semaphore(%run_scoped3A : memref<!tpu.dma_semaphore, #tpu.memory_space<semaphore_mem>>) src(%arg7 : memref<8192xf32, #tpu.memory_space<vmem>>) dst(%dma_wait3A_15 : memref<8192xf32, #tpu.memory_space<hbm>>)
      tpu.yield
    }) : () -> ()
    %mul3A_10 = arith.constant 2 : i32
    %mul3A_11 = arith.muli %mul3A_2, %mul3A_10 : i32
    "tpu.region"() ({
      %run_scoped3A = tpu.sem_alloc : memref<!tpu.dma_semaphore, #tpu.memory_space<semaphore_mem>>
      %dma_start3A = tpu.memref_slice %arg4[%mul3A_11] : memref<65536xf32, #tpu.memory_space<hbm>> -> memref<2048xf32, #tpu.memory_space<hbm>>
      %dma_start3A_14 = tpu.memref_slice %arg4[%mul3A_11] : memref<65536xf32, #tpu.memory_space<hbm>> -> memref<2048xf32, #tpu.memory_space<hbm>>
      tpu.enqueue_dma source(%arg8 : memref<2048xf32, #tpu.memory_space<vmem>>) target(%dma_start3A_14 : memref<2048xf32, #tpu.memory_space<hbm>>) target_semaphore(%run_scoped3A : memref<!tpu.dma_semaphore, #tpu.memory_space<semaphore_mem>>)
      %dma_wait3A = tpu.memref_slice %arg4[%mul3A_11] : memref<65536xf32, #tpu.memory_space<hbm>> -> memref<2048xf32, #tpu.memory_space<hbm>>
      %dma_wait3A_15 = tpu.memref_slice %arg4[%mul3A_11] : memref<65536xf32, #tpu.memory_space<hbm>> -> memref<2048xf32, #tpu.memory_space<hbm>>
      tpu.wait_dma2 semaphore(%run_scoped3A : memref<!tpu.dma_semaphore, #tpu.memory_space<semaphore_mem>>) src(%arg8 : memref<2048xf32, #tpu.memory_space<vmem>>) dst(%dma_wait3A_15 : memref<2048xf32, #tpu.memory_space<hbm>>)
      tpu.yield
    }) : () -> ()
    %mul3A_12 = arith.constant 2 : i32
    %mul3A_13 = arith.muli %mul3A_2, %mul3A_12 : i32
    "tpu.region"() ({
      %run_scoped3A = tpu.sem_alloc : memref<!tpu.dma_semaphore, #tpu.memory_space<semaphore_mem>>
      %dma_start3A = tpu.memref_slice %arg5[%mul3A_13] : memref<65536xi32, #tpu.memory_space<hbm>> -> memref<2048xi32, #tpu.memory_space<hbm>>
      %dma_start3A_14 = tpu.memref_slice %arg5[%mul3A_13] : memref<65536xi32, #tpu.memory_space<hbm>> -> memref<2048xi32, #tpu.memory_space<hbm>>
      tpu.enqueue_dma source(%arg9 : memref<2048xi32, #tpu.memory_space<vmem>>) target(%dma_start3A_14 : memref<2048xi32, #tpu.memory_space<hbm>>) target_semaphore(%run_scoped3A : memref<!tpu.dma_semaphore, #tpu.memory_space<semaphore_mem>>)
      %dma_wait3A = tpu.memref_slice %arg5[%mul3A_13] : memref<65536xi32, #tpu.memory_space<hbm>> -> memref<2048xi32, #tpu.memory_space<hbm>>
      %dma_wait3A_15 = tpu.memref_slice %arg5[%mul3A_13] : memref<65536xi32, #tpu.memory_space<hbm>> -> memref<2048xi32, #tpu.memory_space<hbm>>
      tpu.wait_dma2 semaphore(%run_scoped3A : memref<!tpu.dma_semaphore, #tpu.memory_space<semaphore_mem>>) src(%arg9 : memref<2048xi32, #tpu.memory_space<vmem>>) dst(%dma_wait3A_15 : memref<2048xi32, #tpu.memory_space<hbm>>)
      tpu.yield
    }) : () -> ()
    return
  }
}

module attributes {stable_mosaic.version = 14 : i64} {
  func.func @_matmul_body(%arg0: i32, %arg1: memref<4096x768xf32, #tpu.memory_space<vmem>>, %arg2: memref<768x8xf32, #tpu.memory_space<vmem>>, %arg3: memref<8x4096xf32, #tpu.memory_space<vmem>>) attributes {dimension_semantics = [#tpu.dimension_semantics<arbitrary>], iteration_bounds = array<i64: 8>, scalar_prefetch = 0 : i64, scratch_operands = 0 : i64, tpu.core_type = #tpu.core_type<tc>, window_params = [{transform_indices = @transform_0, window_bounds = array<i64: 4096, 768>}, {pipeline_mode = #tpu.pipeline_mode<synchronous>, transform_indices = @transform_1, window_bounds = array<i64: 768, 8>}, {transform_indices = @transform_2, window_bounds = array<i64: 8, 4096>}]} {
    %get3A = arith.constant 0 : index
    %get3A_0 = arith.constant 0 : index
    %get3A_1 = vector.load %arg1[%get3A, %get3A_0] : memref<4096x768xf32, #tpu.memory_space<vmem>>, vector<4096x768xf32>
    %get3A_2 = arith.constant 0 : index
    %get3A_3 = arith.constant 0 : index
    %get3A_4 = vector.load %arg2[%get3A_2, %get3A_3] : memref<768x8xf32, #tpu.memory_space<vmem>>, vector<768x8xf32>
    %dot_general3A = arith.constant dense<0.000000e+00> : vector<4096x8xf32>
    %dot_general3A_5 = tpu.matmul %get3A_1, %get3A_4, %dot_general3A {dimension_numbers = #tpu.dot_dimension_numbers<[1], [0], [0], [1], [0, 0, 1, 1], [], []>, transpose_lhs_hint = false} : vector<4096x768xf32>, vector<768x8xf32>, vector<4096x8xf32> -> vector<4096x8xf32>
    %transpose3A = tpu.transpose %dot_general3A_5, [1, 0] : vector<4096x8xf32> -> vector<8x4096xf32>
    %swap3A = arith.constant 0 : index
    %swap3A_6 = arith.constant 0 : index
    %swap3A_7 = vector.load %arg3[%swap3A, %swap3A_6] : memref<8x4096xf32, #tpu.memory_space<vmem>>, vector<8x4096xf32>
    tpu.vector_store %arg3[%swap3A, %swap3A_6], %transpose3A {strides = array<i32>} : memref<8x4096xf32, #tpu.memory_space<vmem>>, vector<8x4096xf32>,
    return
  }
  func.func @transform_0(%arg0: i32) -> (i32, i32) {
    %c0_i32 = arith.constant 0 : i32
    %c0_i32_0 = arith.constant 0 : i32
    return %arg0, %c0_i32 : i32, i32
  }
  func.func @transform_1(%arg0: i32) -> (i32, i32) {
    %c0_i32 = arith.constant 0 : i32
    %c0_i32_0 = arith.constant 0 : i32
    %c0_i32_1 = arith.constant 0 : i32
    return %c0_i32, %c0_i32_0 : i32, i32
  }
  func.func @transform_2(%arg0: i32) -> (i32, i32) {
    %c0_i32 = arith.constant 0 : i32
    %c0_i32_0 = arith.constant 0 : i32
    return %c0_i32, %arg0 : i32, i32
  }
}

</mosaic_0001>

<sc_bundles>
// kernel: kernel.4.cloned.1.call-start
scs
__scs_entry_jumppad:
0x0: {  	(pc) =	sbr.rel $0x88, $3  }
0x1: {  	(tag) =	ssettag $0x0;
	lr =	simm.s32 $0x1  }
0x2: {  	[smem:$0x3F9F] =	sst lr;
	_ =	strace $0xD0000000  }
0x3: {  	_ = 	snop  }
0x4: {  	_ = 	snop  }
0x5: {  	_ = 	snop  }
0x6: {  	_ = 	snop  }
0x7: {  	_ = 	snop  }
__scs_overlays_trampoline_lowered:
0x8: {  	[smem:$0x3FAE] =	sst s0  }
0x9: {  	[smem:$0x3FAF] =	sst s1  }
0xa: {  	[smem:$0x3FB0] =	sst s2  }
0xb: {  	[smem:$0x3FB1] =	sst s3  }
0xc: {  	[smem:$0x3FB2] =	sst s4  }
0xd: {  	[smem:$0x3FB3] =	sst s5  }
0xe: {  	[smem:$0x3FB4] =	sst s6  }
0xf: {  	[smem:$0x3FB5] =	sst s7  }
0x10: {  	[smem:$0x3FB6] =	sst s8  }
0x11: {  	[smem:$0x3FB7] =	sst s9;
	s0 =	simm.s32 @!p0 $0x0  }
0x12: {  	s1 =	sld [smem:$0x3F9D];
	s0 =	simm.s32 @p0 $0x1  }
0x13: {  	[smem:$0x3FB8] =	sst s0;
	s0 =	simm.s32 @!p1 $0x0  }
0x14: {  	s2 =	sld [smem:$0x3F9C];
	s0 =	simm.s32 @p1 $0x1  }
0x15: {  	[smem:$0x3FB9] =	sst s0;
	s0 =	simm.s32 @!p2 $0x0  }
0x16: {  	s3 =	sld [smem:$0x3FDB];
	s0 =	simm.s32 @p2 $0x1  }
0x17: {  	s4 =	simm.s32 $0x1BF5;
	[smem:$0x3FBB] =	sst s0  }
0x18: {  	s0 =	sld [smem:$0x3F9E];
	_ =	swait.ge [sflag:s4], $0x0  }
0x19: {  	s7 =	sld [smem:$0x3F9F]  }
0x1a: {  	s8 =	sadd.s32 $0xFFFFE003, lr  }
0x1b: {  	s9 =	sadd.s32 $0xFFFFFEF7, lr;
	s5 =	simm.s32 $0xFFFFFFFF;
	p2 =	slt.u32 s8, $0xFFFFF086  }
0x1c: {  	p1 =	slt.u32 s9, $0xF7A;
	s5 =	simm.s32 @!p2 $0x0  }
0x1d: {  	s5 =	simm.s32 @p1 $0x1;
	p0 =	seq.s32 s7, s2  }
0x1e: {  	s7 =	smul.u32 @!p0 $0xF7A, s2;
	p2 =	seq.s32 @!p0 s5, $0x0  }
0x1f: {  	s9 =	smul.u32 $0xF7A, s1;
	s8 =	simm.s32 @!p0 $0x1BF5;
	p2 =	por !p2, p0  }
0x20: {  	[sflag:s8] =	ssyncset.s32 @!p0 $0xFFFFF086;
	s6 =	sadd.s32 @!p0 s3, s7;
	s7 =	simm.s32 @!p0 $0x108  }
0x21: {  	s3 =	sadd.s32 s3, s9;
	s6 =	sadd.s32 @!p0 $0x88, s6;
	s7 =	simm.s32 @p2 $0x1082  }
0x22: {  	[simem:s7], [sflag:s8] =	dma.local @!p0 [hbm:s6], $0xF7A  }
0x23: {  	s9 =	sor.u32 $0xD0000000, s2;
	s6 =	simm.s32 $0x108;
	_ =	swait.ge @!p0 [sflag:s8], $0x0  }
0x24: {  	s3 =	sadd.s32 $0x88, s3;
	s6 =	simm.s32 @!p1 $0x1082;
	[sflag:s4] =	ssyncset.s32 $0xFFFFF086  }
0x25: {  	[simem:s6], [sflag:s4] =	dma.local [hbm:s3], $0xF7A  }
0x26: {  	[smem:$0x3F9F] =	sst s1;
	(tag) =	ssettag s2;
	_ =	strace s9  }
0x27: {  	s1 =	sld [smem:$0x3FAF]  }
0x28: {  	s2 =	sld [smem:$0x3FB0]  }
0x29: {  	s4 =	sld [smem:$0x3FB2]  }
0x2a: {  	p0 =	seq.s32 s5, $0x0;
	s5 =	sld [smem:$0x3FB3]  }
0x2b: {  	s6 =	sld [smem:$0x3FB4]  }
0x2c: {  	s7 =	sld [smem:$0x3FB5]  }
0x2d: {  	s3 =	simm.s32 $0x108;
	s8 =	sld [smem:$0x3FB6]  }
0x2e: {  	s3 =	simm.s32 @!p0 $0x1082;
	s9 =	sld [smem:$0x3FB7]  }
0x2f: {  	lr =	sadd.s32 s0, s3;
	s0 =	sld [smem:$0x3FAE]  }
0x30: {  	s3 =	sld [smem:$0x3FB1]  }
0x31: {  	[smem:$0x3FBA] =	sst s10  }
0x32: {  	s10 =	sld [smem:$0x3FB8];
	_ =	sdelay $0x3  }
0x33: {  	p0 =	seq.s32 s10, $0x1;
	s10 =	sld [smem:$0x3FBA];
	_ =	sdelay $0x3  }
0x34: {  	[smem:$0x3FBA] =	sst s10  }
0x35: {  	s10 =	sld [smem:$0x3FB9];
	_ =	sdelay $0x3  }
0x36: {  	p1 =	seq.s32 s10, $0x1;
	s10 =	sld [smem:$0x3FBA];
	_ =	sdelay $0x3  }
0x37: {  	[smem:$0x3FBA] =	sst s10  }
0x38: {  	s10 =	sld [smem:$0x3FBB]  }
0x39: {  	_ = 	snop;
	(pc) =	sbr.ind lr, $3  }
0x3a: {  	_ = 	snop  }
0x3b: {  	_ = 	snop  }
0x3c: {  	p2 =	seq.s32 s10, $0x1;
	s10 =	sld [smem:$0x3FBA]  }
0x3d: {  	_ =	shalt  }
0x3e: {  	_ =	shalt  }
0x3f: {  	_ =	shalt  }
0x40: {  	_ =	shalt  }
0x41: {  	_ =	shalt  }
0x42: {  	_ =	shalt  }
0x43: {  	_ =	shalt  }
0x44: {  	_ =	shalt  }
0x45: {  	_ =	shalt  }
0x46: {  	_ =	shalt  }
0x47: {  	_ =	shalt  }
0x48: {  	_ =	shalt  }
0x49: {  	_ =	shalt  }
0x4a: {  	_ =	shalt  }
0x4b: {  	_ =	shalt  }
0x4c: {  	_ =	shalt  }
0x4d: {  	_ =	shalt  }
0x4e: {  	_ =	shalt  }
0x4f: {  	_ =	shalt  }
0x50: {  	_ =	shalt  }
0x51: {  	_ =	shalt  }
0x52: {  	_ =	shalt  }
0x53: {  	_ =	shalt  }
0x54: {  	_ =	shalt  }
0x55: {  	_ =	shalt  }
0x56: {  	_ =	shalt  }
0x57: {  	_ =	shalt  }
0x58: {  	_ =	shalt  }
0x59: {  	_ =	shalt  }
0x5a: {  	_ =	shalt  }
0x5b: {  	_ =	shalt  }
0x5c: {  	_ =	shalt  }
0x5d: {  	_ =	shalt  }
0x5e: {  	_ =	shalt  }
0x5f: {  	_ =	shalt  }
0x60: {  	_ =	shalt  }
0x61: {  	_ =	shalt  }
0x62: {  	_ =	shalt  }
0x63: {  	_ =	shalt  }
0x64: {  	_ =	shalt  }
0x65: {  	_ =	shalt  }
0x66: {  	_ =	shalt  }
0x67: {  	_ =	shalt  }
0x68: {  	_ =	shalt  }
0x69: {  	_ =	shalt  }
0x6a: {  	_ =	shalt  }
0x6b: {  	_ =	shalt  }
0x6c: {  	_ =	shalt  }
0x6d: {  	_ =	shalt  }
0x6e: {  	_ =	shalt  }
0x6f: {  	_ =	shalt  }
0x70: {  	_ =	shalt  }
0x71: {  	_ =	shalt  }
0x72: {  	_ =	shalt  }
0x73: {  	_ =	shalt  }
0x74: {  	_ =	shalt  }
0x75: {  	_ =	shalt  }
0x76: {  	_ =	shalt  }
0x77: {  	_ =	shalt  }
0x78: {  	_ =	shalt  }
0x79: {  	_ =	shalt  }
0x7a: {  	_ =	shalt  }
0x7b: {  	_ =	shalt  }
0x7c: {  	_ =	shalt  }
0x7d: {  	_ =	shalt  }
0x7e: {  	_ =	shalt  }
0x7f: {  	_ =	shalt  }
0x80: {  	_ =	shalt  }
0x81: {  	_ =	shalt  }
0x82: {  	_ =	shalt  }
0x83: {  	_ =	shalt  }
0x84: {  	_ =	shalt  }
0x85: {  	_ =	shalt  }
0x86: {  	_ =	shalt  }
0x87: {  	_ =	shalt  }
.Lfunc_end0:
.L_simem_size_0:
called_computation_lowered:
.L_overlay_start_0:
0x88: {  	s2 =	sld [smem:$0x3FD9]  }
0x89: {  	s3 =	sld [smem:$0x3FFE];
	_ =	sdelay $0x1  }
0x8a: {  	s1 =	srdreg.scid  }
0x8b: {  	s0 =	sand.u32 $0x1, s1  }
0x8c: {  	s14 =	sshll.u32 s0, $0xA;
	s2 =	sadd.s32 s3, s2  }
0x8d: {  	s2 =	sadd.s32 s2, s14  }
0x8e: {  	[smem:$0x3FC6] =	sst s2  }
0x8f: {  	_ = 	snop  }
0x90: {  	s2 =	sld [smem:$0x3FD0];
	_ =	sdelay $0x2  }
0x91: {  	s15 =	simm.s32 $0xA;
	s4 =	simm.s32 $0x10  }
0x92: {  	[smem:s4], [sflag:s15] =	dma.local [hbm:s2], $0x1  }
0x93: {  	_ =	swait.eq [sflag:s15], $0x1  }
0x94: {  	[sflag:s15] =	ssyncset.done $0x0  }
0x95: {  	s16 =	sld [smem:$0x11];
	[sflag:s15] =	ssyncadd.s32 $0xFFFFFFFF  }
0x96: {  	s17 =	sld [smem:$0x12];
	(tm) =	ssettm $0x1  }
0x97: {  	s18 =	sld [smem:$0x3FFB];
	_ =	sdelay $0x3  }
0x98: {  	_ =	strace s18  }
0x99: {  	s4 =	sld [smem:$0x3FFC];
	_ =	sdelay $0x3  }
0x9a: {  	_ =	strace s4  }
0x9b: {  	s4 =	sld [smem:$0x3FFD];
	_ =	sdelay $0x3  }
0x9c: {  	_ =	strace s4  }
0x9d: {  	_ =	strace $0x8FFFFFFF  }
0x9e: {  	s19 =	sld [smem:$0x3FDB];
	_ =	sdelay $0x1  }
0x9f: {  	s5 =	simm.s32 $_scs_section_size  }
0xa0: {  	s6 =	simm.s32 $_size__tile_overlayer_lowered;
	s7 =	simm.s32 $_tile_overlayer_lowered  }
0xa1: {  	s22 =	simm.s32 $0x1BFF;
	s21 =	sshll.u32 s7, $0x1;
	s4 =	sadd.s32 s5, s19  }
0xa2: {  	s8 =	simm.s32 $0x0;
	s20 =	sshll.u32 s6, $0x1;
	s6 =	sadd.s32 s21, s4  }
0xa3: {  	[timem:s8], [sflag:s22] =	dma.local [hbm:s6], s20  }
0xa4: {  	_ =	swait.ge [sflag:s22], s20  }
0xa5: {  	s5 =	ssub.s32 $0x0, s20;
	[sflag:s22] =	ssyncset.done $0x0  }
0xa6: {  	[sflag:s22] =	ssyncadd.s32 s5;
	_ =	sdelay $0x1  }
0xa7: {  	s23 =	simm.s32 $0x1B8B  }
0xa8: {  	_ =	swait.ge [sflag:s23], $0x1  }
0xa9: {  	[sflag:s23] =	ssyncset.done $0x0  }
0xaa: {  	s25 =	simm.s32 $0x1B8E;
	s24 =	sld [smem:$0x3FFE];
	[sflag:s23] =	ssyncadd.s32 $0xFFFFFFFF  }
0xab: {  	s26 =	simm.s32 $execute0_lowered;
	[smem:$0x3FD2] =	sst s25  }
0xac: {  	s6 =	sshll.u32 s26, $0x1;
	_ =	strace $0x80000046;
	[dreg:$0x1] =	wrdreg $0xFFFFFFFF  }
0xad: {  	s28 =	simm.s32 $_size_execute0_lowered;
	s4 =	sadd.s32 s4, s6;
	[dreg:$0x0] =	wrdreg $0x0  }
0xae: {  	s6 =	sshll.u32 s28, $0x1;
	[dreg:$0x2] =	wrdreg s4  }
0xaf: {  	[dreg:$0x3] =	wrdreg s6  }
0xb0: {  	[dreg:$0x4] =	wrdreg $0xC0  }
0xb1: {  	_ =	task [dreg:s8], $0x5FFFF  }
0xb2: {  	[dreg:$0x1] =	wrdreg $0xFFFFFFFF  }
0xb3: {  	[dreg:$0x0] =	wrdreg $0x60  }
0xb4: {  	[dreg:$0x2] =	wrdreg s17  }
0xb5: {  	[dreg:$0x3] =	wrdreg s24  }
0xb6: {  	[dreg:$0x4] =	wrdreg s16  }
0xb7: {  	[dreg:$0x5] =	wrdreg $0x9  }
0xb8: {  	_ =	task.clear_ibuf [dreg:s8], $0x6FFFF;
	_ =	strace $0x90000046  }
0xb9: {  	s29 =	simm.s32 $0x9;
	_ =	strace $0x80000048  }
0xba: {  	_ =	swait.ge [sflag:s29], $0x1  }
0xbb: {  	[sflag:s29] =	ssyncadd.s32 $0xFFFFFFFF  }
0xbc: {  	_ =	strace $0x90000048  }
0xbd: {  	_ =	sfence  }
0xbe: {  	s30 =	sld [smem:$0x0];
	_ =	sdelay $0x2  }
0xbf: {  	s31 =	sshll.u32 s1, $0xD;
	s1 =	sshrl.u32 s1, $0x2  }
0xc0: {  	s3 =	sand.u32 $0x4000, s31;
	s1 =	sadd.s32 s1, s30  }
0xc1: {  	s0 =	sor.u32 s3, s0;
	s1 =	sshll.u32 s1, $0x11  }
0xc2: {  	s0 =	sor.u32 s1, s0  }
0xc3: {  	s0 =	sadd.s32 $0x8F2B, s0  }
0xc4: {  	[sflag:s0] =	ssyncadd.remote.s32 $0x1  }
0xc5: {  	_ =	sfence.sel $0xFFFF  }
0xc6: {  	[dreg:$0x0] =	wrdreg $0xFFFFFFFF;
	(pc) =	sbr.abs _section_cstart, $3  }
0xc7: {  	[dreg:$0x1] =	wrdreg $0xFFFFFFFF  }
0xc8: {  	_ =	task.clear_ibuf [dreg:s8], $0x2FFFF;
	_ =	strace $0x9FFFFFFF  }
0xc9: {  	(tm) =	ssettm $0x7FFFFFFF  }
tec
execute0_lowered:
.L_overlay_start_1:
0x0: {  	(tag) =	ssettag $0x1  }
0x1: {  	s3 =	rddreg [dreg:$0x0]  }
0x2: {  	s4 =	rddreg [dreg:$0x1]  }
0x3: {  	s5 =	rddreg [dreg:$0x2]  }
0x4: {  	s0 =	rddreg [dreg:$0x3];
	s6 =	srdreg.scid  }
0x5: {  	s1 =	stileid.u32;
	s2 =	simm.s32 $0x0;
	s12 =	simm.s32 $0x0  }
0x6: {  	s6 =	sand.u32 $0x1, s6;
	s7 =	sshll.u32 s1, $0x1;
	[smem:$0x7FF] =	sst s2  }
0x7: {  	v4 =	vlaneseq.u32;
	s7 =	sor.u32 s6, s7;
	_ =	strace $0x80000047;
	s6 =	ssub.s32 $0x2, s6  }
0x8: {  	v0 =	vmul.u32 $0x8, v4;
	s8 =	sshll.u32 s7, $0xA;
	s7 =	sshll.u32 s7, $0x8;
	s10 =	sshrl.u32 s6, $0x1  }
0x9: {  	v9 =	vimm.s32 $0x8;
	s9 =	sadd.s32 s8, s4;
	s11 =	sadd.s32 s7, s4;
	s10 =	ssub.s32 s6, s10  }
0xa: {  	v4 =	vmul.u32 $0x2, v4;
	v1 =	vor.u32 $0x1, v0;
	v2 =	vor.u32 $0x2, v0;
	s3 =	sadd.s32 s3, s8;
	s5 =	sadd.s32 s5, s7;
	s8 =	simm.s32 $0x1  }
0xb: {  	v3 =	vor.u32 $0x3, v0;
	v5 =	vor.u32 $0x4, v0;
	v6 =	vor.u32 $0x5, v0;
	s4 =	sadd.s32 $0x2E00, s9;
	s6 =	sadd.s32 $0xE00, s11;
	s7 =	smax.u32 s10, $0x1  }
0xc: {  	v7 =	vor.u32 $0x6, v0;
	v8 =	vor.u32 $0x7, v0;
	v10 =	vor.u32 $0x1, v4;
	s9 =	simm.s32 $0x2000;
	s10 =	simm.s32 $0x4000;
	s11 =	simm.s32 $0x4800  }
.LBB2_1:
0xd: {  	[tilespmem:s2], [sflag:$0x1] =	stream.linear.gather [hbm4b:s3+s2], $0x2000, $0x38;
	[tilespmem:$0x5000] =	vst v63  }
0xe: {  	_ =	swait.ge [sflag:s8], $0x2000  }
0xf: {  	s13 =	sand.u32 $0x70, s2;
	s14 =	sand.u32 $0x1C00, s2;
	[sflag:s8] =	ssyncset.done $0x0  }
0x10: {  	s13 =	sor.u32 s13, s14;
	[sflag:s8] =	ssyncadd.s32 $0xFFFFE000  }
0x11: {  	v18 =	vld [tilespmem:s13+$0x80]  }
0x12: {  	v19 =	vld [tilespmem:s13+$0x0]  }
0x13: {  	v17 =	vld [tilespmem:s13+$0x100]  }
0x14: {  	v15 =	vld [tilespmem:s13+$0x180]  }
0x15: {  	v16 =	vld [tilespmem:s13+$0x200]  }
0x16: {  	s28 =	sor.u32 s2, s2;
	v14 =	vld [tilespmem:s13+$0x280]  }
0x17: {  	s29 =	sor.u32 $0x380, s28;
	v11 =	vld [tilespmem:s13+$0x300];
	v13 =	vmax.f32 v19, v18  }
0x18: {  	v12 =	vld [tilespmem:s29+$0x0];
	v13 =	vmax.f32 v13, v17  }
0x19: {  	v13 =	vmax.f32 v13, v15  }
0x1a: {  	v13 =	vmax.f32 v13, v16  }
0x1b: {  	v13 =	vmax.f32 v13, v14  }
0x1c: {  	v13 =	vmax.f32 v13, v11  }
0x1d: {  	v13 =	vmax.f32 v13, v12  }
0x1e: {  	s30 =	simm.s32 $0x10;
	s19 =	simm.s32 $0x20;
	s20 =	simm.s32 $0x80;
	v20 =	vsub.f32 v19, v13;
	v21 =	vsub.f32 v18, v13;
	vm0 =	veq.f32 v12, v13  }
0x1f: {  	s21 =	simm.s32 $0x20;
	s18 =	simm.s32 $0x0;
	s17 =	simm.s32 $0x0;
	v22 =	vsub.f32 v17, v13;
	v25 =	vsub.f32 v15, v13;
	vm15 =	veq.f32 v11, v13  }
0x20: {  	s31 =	sand.u32 $0x70, s30;
	s15 =	sand.u32 $0x1C00, s20;
	s16 =	sor.u32 s20, s30;
	v26 =	vsel vm0, $0x7, v9;
	v24 =	vmul.f32 $1.442695020e+00, v20;
	v23 =	vmul.f32 $1.442695020e+00, v21  }
0x21: {  	s14 =	simm.s32 $0x80;
	s15 =	sor.u32 s31, s15;
	s13 =	simm.s32 $0x20;
	v22 =	vmul.f32 $1.442695020e+00, v22;
	v21 =	vmul.f32 $1.442695020e+00, v25;
	v20 =	vsel vm15, $0x6, v26  }
.LBB2_2:
0x22: {  	p0 =	sne.s32 s21, $0x3F0  }
0x23: {  	s19 =	sadd.s32 $0x20, s19;
	s20 =	sadd.s32 $0x80, s20;
	v25 =	vsub.f32 v16, v13;
	v26 =	vsub.f32 v14, v13;
	(erf) = vpow2.f32 v24;
	s23 =	smov.u32 s21  }
0x24: {  	s21 =	sadd.s32 $0x10, s21;
	v24 =	vsub.f32 v11, v13;
	vm0 =	veq.f32 v14, v13;
	s22 =	sand.u32 $0x70, s23;
	s24 =	sand.u32 $0x1C00, s20;
	(erf) = vpow2.f32 v23  }
0x25: {  	vm1 =	veq.f32 v15, v13;
	vm2 =	veq.f32 v16, v13;
	s23 =	sor.u32 s20, s23;
	s22 =	sor.u32 s22, s24;
	(erf) = vpow2.f32 v22  }
0x26: {  	vm3 =	veq.f32 v17, v13;
	v23 =	vsub.f32 v12, v13;
	v22 =	vmul.f32 $1.442695020e+00, v24  }
0x27: {  	vm4 =	veq.f32 v18, v13;
	v24 =	vmul.f32 $1.442695020e+00, v25;
	(erf) = vpow2.f32 v21  }
0x28: {  	vm5 =	vne.f32 v19, v13  }
0x29: {  	v20 =	vsel vm0, $0x5, v20;
	v21 =	vmul.f32 $1.442695020e+00, v26;
	(erf) = vpow2.f32 v24  }
0x2a: {  	v19 =	vnsel vm5, $0xFF800000, v19;
	vm0 =	vmand vm5, vm4;
	v26 =	vsel vm2, $0x4, v20  }
0x2b: {  	v26 =	vsel vm1, $0x3, v26;
	v24 =	vsel vm0, $0xFF800000, v18;
	(erf) = vpow2.f32 v21  }
0x2c: {  	v18 =	vsel vm3, $0x2, v26;
	v21 =	vmul.f32 $1.442695020e+00, v23;
	v20 =	vpop (erf)  }
0x2d: {  	v18 =	vsel vm4, $0x1, v18;
	v23 =	vmax.f32 v19, v24;
	v25 =	vpop (erf);
	(erf) = vpow2.f32 v22  }
0x2e: {  	v18 =	vnsel vm5, $0x0, v18;
	v27 =	vadd.f32 v25, v20;
	v26 =	vpop (erf);
	(erf) = vpow2.f32 v21  }
0x2f: {  	vm0 =	veq.s32 v18, $0x2;
	vm1 =	veq.s32 v18, $0x4;
	vm2 =	veq.s32 v18, $0x5  }
0x30: {  	v17 =	vsel vm0, $0xFF800000, v17;
	vm0 =	veq.s32 v18, $0x3;
	v21 =	vadd.f32 v27, v26;
	v22 =	vpop (erf)  }
0x31: {  	v16 =	vsel vm1, $0xFF800000, v16;
	v23 =	vmax.f32 v23, v17;
	v15 =	vsel vm0, $0xFF800000, v15  }
0x32: {  	v14 =	vsel vm2, $0xFF800000, v14;
	v23 =	vmax.f32 v23, v15;
	v21 =	vadd.f32 v21, v22;
	v27 =	vpop (erf)  }
0x33: {  	vm1 =	veq.s32 v18, $0x7;
	vm0 =	veq.s32 v18, $0x6;
	v23 =	vmax.f32 v23, v16  }
0x34: {  	v11 =	vsel vm0, $0xFF800000, v11;
	v23 =	vmax.f32 v23, v14;
	v21 =	vadd.f32 v21, v27;
	v28 =	vpop (erf)  }
0x35: {  	v30 =	vsel vm1, $0xFF800000, v12;
	v23 =	vmax.f32 v23, v11  }
0x36: {  	v23 =	vmax.f32 v23, v30;
	v21 =	vadd.f32 v21, v28;
	v29 =	vpop (erf)  }
0x37: {  	vm0 =	veq.f32 v11, v23;
	vm1 =	veq.f32 v30, v23;
	v11 =	vsub.f32 v23, v13;
	v12 =	vpop (erf)  }
0x38: {  	vm2 =	veq.f32 v14, v23;
	v14 =	vsel vm1, $0x7, v9;
	v13 =	vadd.f32 v21, v29  }
0x39: {  	vm1 =	veq.f32 v17, v23;
	v14 =	vsel vm0, $0x6, v14;
	v11 =	vmul.f32 $1.442695020e+00, v11  }
0x3a: {  	vm0 =	veq.f32 v16, v23;
	v14 =	vsel vm2, $0x5, v14;
	v13 =	vadd.f32 v13, v12  }
0x3b: {  	vm2 =	veq.f32 v15, v23;
	v14 =	vsel vm0, $0x4, v14;
	(erf) = vpow2.f32 v11  }
0x3c: {  	vm3 =	veq.f32 v24, v23;
	v11 =	vsel vm2, $0x3, v14;
	(erf) = vrcp.f32 v13  }
0x3d: {  	vm0 =	veq.f32 v19, v23;
	v11 =	vsel vm1, $0x2, v11  }
0x3e: {  	v11 =	vsel vm3, $0x1, v11;
	_ =	sdelay $0x4  }
0x3f: {  	v13 =	vor.u32 s18, v0  }
0x40: {  	v14 =	vor.u32 s18, v1;
	v15 =	vpop (erf)  }
0x41: {  	v16 =	vor.u32 s18, v2;
	v17 =	vpop (erf)  }
0x42: {  	v19 =	vmul.f32 v17, v20;
	v20 =	vor.u32 s18, v3;
	v15 =	vmul.f32 v15, v17  }
0x43: {  	v24 =	vor.u32 s18, v5;
	v21 =	vmul.f32 v17, v25;
	v23 =	vmul.f32 v17, v26  }
0x44: {  	[tilespmem:v13+s9+$0x0] =	vst.idx.msk $0xffff, v19;
	v13 =	vmul.f32 v17, v27;
	v19 =	vor.u32 s18, v6;
	v25 =	vadd.f32 v15, v17  }
0x45: {  	[tilespmem:v14+s9+$0x0] =	vst.idx.msk $0xffff, v21;
	v14 =	vmul.f32 v17, v22;
	v21 =	vmul.f32 v17, v28;
	v22 =	vor.u32 s18, v7  }
0x46: {  	[tilespmem:v16+s9+$0x0] =	vst.idx.msk $0xffff, v23;
	v16 =	vor.u32 s18, v8;
	v23 =	vadd.f32 $9.999999710e-10, v25;
	s18 =	smov.u32 s14;
	s14 =	smov.u32 s20  }
0x47: {  	[tilespmem:v20+s9+$0x0] =	vst.idx.msk $0xffff, v14  }
0x48: {  	[tilespmem:v24+s9+$0x0] =	vst.idx.msk $0xffff, v13;
	v13 =	vmul.f32 v17, v29;
	(erf) = vrcp.f32 v23  }
0x49: {  	v12 =	vmul.f32 v17, v12;
	[tilespmem:v19+s9+$0x0] =	vst.idx.msk $0xffff, v21  }
0x4a: {  	[tilespmem:v22+s9+$0x0] =	vst.idx.msk $0xffff, v13  }
0x4b: {  	[tilespmem:v16+s9+$0x0] =	vst.idx.msk $0xffff, v12;
	_ =	sdelay $0x2  }
0x4c: {  	v12 =	vor.u32 s17, v4  }
0x4d: {  	v13 =	vor.u32 s17, v10;
	s17 =	smov.u32 s13;
	s13 =	smov.u32 s19;
	_ =	sdelay $0x1  }
0x4e: {  	v14 =	vpop (erf)  }
0x4f: {  	v16 =	vmul.f32 v14, v17;
	v14 =	vmul.f32 v14, v15;
	_ =	sdelay $0x1  }
0x50: {  	[tilespmem:v12+s10+$0x0] =	vst.idx.msk $0xffff, v16  }
0x51: {  	v11 =	vsel vm0, $0x0, v11;
	[tilespmem:v13+s10+$0x0] =	vst.idx.msk $0xffff, v14  }
0x52: {  	[tilespmem:v12+s11+$0x0] =	vst.idx.msk $0xffff, v18  }
0x53: {  	[tilespmem:v13+s11+$0x0] =	vst.idx.msk $0xffff, v11  }
0x54: {  	v18 =	vld [tilespmem:s15+$0x80]  }
0x55: {  	v19 =	vld [tilespmem:s15+$0x0]  }
0x56: {  	v17 =	vld [tilespmem:s15+$0x100]  }
0x57: {  	v15 =	vld [tilespmem:s15+$0x180]  }
0x58: {  	v16 =	vld [tilespmem:s15+$0x200]  }
0x59: {  	v14 =	vld [tilespmem:s15+$0x280]  }
0x5a: {  	s24 =	sor.u32 $0x380, s16;
	s16 =	smov.u32 s23;
	v11 =	vld [tilespmem:s15+$0x300];
	v13 =	vmax.f32 v19, v18;
	s15 =	smov.u32 s22  }
0x5b: {  	v12 =	vld [tilespmem:s24+$0x0];
	v13 =	vmax.f32 v13, v17  }
0x5c: {  	v13 =	vmax.f32 v13, v15  }
0x5d: {  	v13 =	vmax.f32 v13, v16  }
0x5e: {  	v13 =	vmax.f32 v13, v14  }
0x5f: {  	v13 =	vmax.f32 v13, v11  }
.Ltmp0:
0x60: {  	v13 =	vmax.f32 v13, v12;
	(pc) =	sbr.rel @p0 .LBB2_2-.Ltmp0, $4  }
0x61: {  	v20 =	vsub.f32 v19, v13;
	v21 =	vsub.f32 v18, v13;
	vm0 =	veq.f32 v12, v13  }
0x62: {  	v22 =	vsub.f32 v17, v13;
	v25 =	vsub.f32 v15, v13;
	v26 =	vsel vm0, $0x7, v9  }
0x63: {  	vm0 =	veq.f32 v11, v13;
	v24 =	vmul.f32 $1.442695020e+00, v20;
	v23 =	vmul.f32 $1.442695020e+00, v21  }
0x64: {  	v22 =	vmul.f32 $1.442695020e+00, v22;
	v21 =	vmul.f32 $1.442695020e+00, v25;
	v20 =	vsel vm0, $0x6, v26  }
0x65: {  	(erf) = vpow2.f32 v24  }
0x66: {  	v39 =	vsub.f32 v16, v13;
	(erf) = vpow2.f32 v23  }
0x67: {  	v40 =	vsub.f32 v14, v13;
	v25 =	vsub.f32 v11, v13;
	vm0 =	veq.f32 v14, v13  }
0x68: {  	vm1 =	veq.f32 v15, v13;
	vm2 =	veq.f32 v16, v13;
	(erf) = vpow2.f32 v22  }
0x69: {  	v42 =	vsub.f32 v12, v13;
	vm4 =	veq.f32 v18, v13;
	vm5 =	vne.f32 v19, v13  }
0x6a: {  	v20 =	vsel vm0, $0x5, v20;
	v24 =	vmul.f32 $1.442695020e+00, v39;
	(erf) = vpow2.f32 v21  }
0x6b: {  	vm3 =	veq.f32 v17, v13;
	vm7 =	vmand vm5, vm4;
	v20 =	vsel vm2, $0x4, v20  }
0x6c: {  	v43 =	vmul.f32 $1.442695020e+00, v40;
	v20 =	vsel vm1, $0x3, v20;
	(erf) = vpow2.f32 v24  }
0x6d: {  	v19 =	vnsel vm5, $0xFF800000, v19;
	v41 =	vmul.f32 $1.442695020e+00, v25;
	v20 =	vsel vm3, $0x2, v20  }
0x6e: {  	v44 =	vsel vm7, $0xFF800000, v18;
	(erf) = vpow2.f32 v43;
	v20 =	vsel vm4, $0x1, v20;
	v46 =	vpop (erf)  }
0x6f: {  	v45 =	vmul.f32 $1.442695020e+00, v42;
	v47 =	vmax.f32 v19, v44;
	v20 =	vnsel vm5, $0x0, v20;
	v48 =	vpop (erf)  }
0x70: {  	vm8 =	veq.s32 v20, $0x2;
	(erf) = vpow2.f32 v41;
	v49 =	vadd.f32 v48, v46  }
0x71: {  	vm9 =	veq.s32 v20, $0x4;
	vm10 =	veq.s32 v20, $0x5;
	vm11 =	veq.s32 v20, $0x3;
	v50 =	vpop (erf)  }
0x72: {  	v51 =	vsel vm8, $0xFF800000, v17;
	(erf) = vpow2.f32 v45;
	v22 =	vadd.f32 v49, v50  }
0x73: {  	vm12 =	veq.s32 v20, $0x6;
	v52 =	vsel vm11, $0xFF800000, v15;
	v24 =	vmax.f32 v47, v51;
	v26 =	vpop (erf)  }
0x74: {  	v53 =	vsel vm9, $0xFF800000, v16;
	v24 =	vmax.f32 v24, v52;
	v22 =	vadd.f32 v22, v26  }
0x75: {  	vm13 =	veq.s32 v20, $0x7;
	v54 =	vsel vm10, $0xFF800000, v14;
	v24 =	vmax.f32 v24, v53;
	v27 =	vpop (erf)  }
0x76: {  	v11 =	vsel vm12, $0xFF800000, v11;
	v24 =	vmax.f32 v24, v54;
	v22 =	vadd.f32 v22, v27  }
0x77: {  	v55 =	vsel vm13, $0xFF800000, v12;
	v24 =	vmax.f32 v24, v11;
	v28 =	vpop (erf)  }
0x78: {  	v24 =	vmax.f32 v24, v55;
	v22 =	vadd.f32 v22, v28  }
0x79: {  	v56 =	vsub.f32 v24, v13;
	v29 =	vpop (erf)  }
0x7a: {  	v22 =	vadd.f32 v22, v29  }
0x7b: {  	v13 =	vmul.f32 $1.442695020e+00, v56;
	v30 =	vpop (erf)  }
0x7c: {  	v22 =	vadd.f32 v22, v30  }
0x7d: {  	(erf) = vpow2.f32 v13  }
0x7e: {  	(erf) = vrcp.f32 v22;
	_ =	sdelay $0x7  }
0x7f: {  	v13 =	vpop (erf)  }
0x80: {  	v22 =	vpop (erf)  }
0x81: {  	v13 =	vmul.f32 v13, v22;
	_ =	sdelay $0x1  }
0x82: {  	v31 =	vadd.f32 v13, v22;
	_ =	sdelay $0x1  }
0x83: {  	v31 =	vadd.f32 $9.999999710e-10, v31  }
0x84: {  	v32 =	vor.u32 s18, v0  }
0x85: {  	v33 =	vor.u32 s18, v1;
	(erf) = vrcp.f32 v31  }
0x86: {  	v57 =	vor.u32 s18, v2  }
0x87: {  	v34 =	vor.u32 s18, v3;
	v23 =	vmul.f32 v22, v46  }
0x88: {  	v35 =	vor.u32 s18, v5;
	v25 =	vmul.f32 v22, v48  }
0x89: {  	v58 =	vor.u32 s18, v6;
	vm0 =	veq.f32 v11, v24;
	v11 =	vmul.f32 v22, v50;
	[tilespmem:v32+s9+$0x0] =	vst.idx.msk $0xffff, v23  }
0x8a: {  	v60 =	vor.u32 s18, v7;
	vm1 =	veq.f32 v55, v24;
	v59 =	vmul.f32 v22, v26;
	[tilespmem:v33+s9+$0x0] =	vst.idx.msk $0xffff, v25  }
0x8b: {  	vm2 =	veq.f32 v54, v24;
	v61 =	vmul.f32 v22, v27;
	[tilespmem:v57+s9+$0x0] =	vst.idx.msk $0xffff, v11;
	v11 =	vor.u32 s18, v8  }
0x8c: {  	v62 =	vsel vm1, $0x7, v9;
	v63 =	vmul.f32 v22, v28;
	[tilespmem:v34+s9+$0x0] =	vst.idx.msk $0xffff, v59;
	v31 =	vor.u32 s17, v4  }
0x8d: {  	v32 =	vmul.f32 v22, v29;
	v25 =	vsel vm0, $0x6, v62;
	v33 =	vor.u32 s17, v10;
	[tilespmem:v35+s9+$0x0] =	vst.idx.msk $0xffff, v61  }
0x8e: {  	vm14 =	veq.f32 v53, v24;
	v34 =	vsel vm2, $0x5, v25;
	v35 =	vmul.f32 v22, v30;
	[tilespmem:v58+s9+$0x0] =	vst.idx.msk $0xffff, v63;
	v36 =	vpop (erf)  }
0x8f: {  	vm15 =	veq.f32 v52, v24;
	v37 =	vsel vm14, $0x4, v34;
	[tilespmem:v60+s9+$0x0] =	vst.idx.msk $0xffff, v32;
	v38 =	vmul.f32 v36, v22  }
0x90: {  	vm4 =	veq.f32 v51, v24;
	v15 =	vsel vm15, $0x3, v37;
	[tilespmem:v11+s9+$0x0] =	vst.idx.msk $0xffff, v35;
	v11 =	vmul.f32 v36, v13  }
0x91: {  	vm5 =	veq.f32 v44, v24;
	v39 =	vsel vm4, $0x2, v15;
	[tilespmem:v31+s10+$0x0] =	vst.idx.msk $0xffff, v38  }
0x92: {  	vm6 =	veq.f32 v19, v24;
	v13 =	vsel vm5, $0x1, v39;
	[tilespmem:v33+s10+$0x0] =	vst.idx.msk $0xffff, v11  }
0x93: {  	v11 =	vsel vm6, $0x0, v13;
	[tilespmem:v31+s11+$0x0] =	vst.idx.msk $0xffff, v20  }
0x94: {  	[tilespmem:v33+s11+$0x0] =	vst.idx.msk $0xffff, v11  }
0x95: {  	v11 =	vld [tilespmem:s15+$0x80]  }
0x96: {  	v12 =	vld [tilespmem:s15+$0x0]  }
0x97: {  	v40 =	vld [tilespmem:s15+$0x100]  }
0x98: {  	v14 =	vld [tilespmem:s15+$0x180]  }
0x99: {  	v41 =	vld [tilespmem:s15+$0x200]  }
0x9a: {  	v42 =	vld [tilespmem:s15+$0x280]  }
0x9b: {  	s31 =	sor.u32 $0x380, s16;
	v43 =	vld [tilespmem:s15+$0x300];
	v44 =	vmax.f32 v12, v11  }
0x9c: {  	v45 =	vld [tilespmem:s31+$0x0];
	v18 =	vmax.f32 v44, v40  }
0x9d: {  	v18 =	vmax.f32 v18, v14  }
0x9e: {  	v18 =	vmax.f32 v18, v41  }
0x9f: {  	v18 =	vmax.f32 v18, v42  }
0xa0: {  	v18 =	vmax.f32 v18, v43  }
0xa1: {  	v18 =	vmax.f32 v18, v45  }
0xa2: {  	v46 =	vsub.f32 v12, v18  }
0xa3: {  	v47 =	vsub.f32 v11, v18;
	v48 =	vsub.f32 v40, v18  }
0xa4: {  	vm7 =	veq.f32 v45, v18;
	v49 =	vsub.f32 v14, v18;
	v20 =	vmul.f32 $1.442695020e+00, v46  }
0xa5: {  	vm8 =	veq.f32 v43, v18;
	v52 =	vsub.f32 v41, v18;
	v21 =	vmul.f32 $1.442695020e+00, v47  }
0xa6: {  	v53 =	vsub.f32 v42, v18;
	v54 =	vsub.f32 v43, v18;
	(erf) = vpow2.f32 v20  }
0xa7: {  	vm9 =	veq.f32 v42, v18;
	v22 =	vmul.f32 $1.442695020e+00, v48;
	(erf) = vpow2.f32 v21  }
0xa8: {  	vm10 =	veq.f32 v14, v18;
	vm11 =	veq.f32 v41, v18;
	v56 =	vsub.f32 v45, v18  }
0xa9: {  	v50 =	vsel vm7, $0x7, v9;
	v23 =	vmul.f32 $1.442695020e+00, v49;
	(erf) = vpow2.f32 v22  }
0xaa: {  	vm13 =	veq.f32 v11, v18;
	vm14 =	vne.f32 v12, v18;
	v51 =	vsel vm8, $0x6, v50  }
0xab: {  	v24 =	vmul.f32 $1.442695020e+00, v52;
	v20 =	vsel vm9, $0x5, v51;
	(erf) = vpow2.f32 v23  }
0xac: {  	vm12 =	veq.f32 v40, v18;
	vm15 =	vmand vm14, vm13;
	v20 =	vsel vm11, $0x4, v20  }
0xad: {  	v21 =	vmul.f32 $1.442695020e+00, v53;
	v20 =	vsel vm10, $0x3, v20;
	(erf) = vpow2.f32 v24  }
0xae: {  	v12 =	vnsel vm14, $0xFF800000, v12;
	v55 =	vmul.f32 $1.442695020e+00, v54;
	v20 =	vsel vm12, $0x2, v20  }
0xaf: {  	v11 =	vsel vm15, $0xFF800000, v11;
	v20 =	vsel vm13, $0x1, v20;
	(erf) = vpow2.f32 v21;
	v58 =	vpop (erf)  }
0xb0: {  	v57 =	vmul.f32 $1.442695020e+00, v56;
	v59 =	vmax.f32 v12, v11;
	v20 =	vnsel vm14, $0x0, v20;
	v60 =	vpop (erf)  }
0xb1: {  	vm5 =	veq.s32 v20, $0x2;
	(erf) = vpow2.f32 v55;
	v61 =	vadd.f32 v60, v58  }
0xb2: {  	vm6 =	veq.s32 v20, $0x4;
	vm7 =	veq.s32 v20, $0x5;
	vm8 =	veq.s32 v20, $0x3;
	v62 =	vpop (erf)  }
0xb3: {  	v13 =	vsel vm5, $0xFF800000, v40;
	(erf) = vpow2.f32 v57;
	v22 =	vadd.f32 v61, v62  }
0xb4: {  	vm9 =	veq.s32 v20, $0x6;
	v14 =	vsel vm8, $0xFF800000, v14;
	v24 =	vmax.f32 v59, v13;
	v63 =	vpop (erf)  }
0xb5: {  	v15 =	vsel vm6, $0xFF800000, v41;
	v24 =	vmax.f32 v24, v14;
	v22 =	vadd.f32 v22, v63  }
0xb6: {  	vm10 =	veq.s32 v20, $0x7;
	v16 =	vsel vm7, $0xFF800000, v42;
	v24 =	vmax.f32 v24, v15;
	v36 =	vpop (erf)  }
0xb7: {  	v17 =	vsel vm9, $0xFF800000, v43;
	v24 =	vmax.f32 v24, v16;
	v22 =	vadd.f32 v22, v36  }
0xb8: {  	v19 =	vsel vm10, $0xFF800000, v45;
	v24 =	vmax.f32 v24, v17;
	v37 =	vpop (erf)  }
0xb9: {  	v24 =	vmax.f32 v24, v19;
	v22 =	vadd.f32 v22, v37  }
0xba: {  	v18 =	vsub.f32 v24, v18;
	v38 =	vpop (erf)  }
0xbb: {  	v22 =	vadd.f32 v22, v38  }
0xbc: {  	v18 =	vmul.f32 $1.442695020e+00, v18;
	v39 =	vpop (erf)  }
0xbd: {  	v22 =	vadd.f32 v22, v39  }
0xbe: {  	(erf) = vpow2.f32 v18  }
0xbf: {  	(erf) = vrcp.f32 v22;
	_ =	sdelay $0x7  }
0xc0: {  	v18 =	vpop (erf)  }
0xc1: {  	v22 =	vpop (erf)  }
0xc2: {  	v18 =	vmul.f32 v18, v22;
	_ =	sdelay $0x1  }
0xc3: {  	v40 =	vadd.f32 v18, v22;
	_ =	sdelay $0x1  }
0xc4: {  	v31 =	vadd.f32 $9.999999710e-10, v40  }
0xc5: {  	v41 =	vor.u32 s14, v0  }
0xc6: {  	v42 =	vor.u32 s14, v1;
	(erf) = vrcp.f32 v31  }
0xc7: {  	v43 =	vor.u32 s14, v2  }
0xc8: {  	v44 =	vor.u32 s14, v3;
	v23 =	vmul.f32 v22, v58  }
0xc9: {  	v45 =	vor.u32 s14, v5;
	v25 =	vmul.f32 v22, v60  }
0xca: {  	v47 =	vor.u32 s14, v6;
	v49 =	vor.u32 s14, v7;
	v46 =	vmul.f32 v22, v62;
	[tilespmem:v41+s9+$0x0] =	vst.idx.msk $0xffff, v23  }
0xcb: {  	v54 =	vor.u32 s13, v4;
	v56 =	vor.u32 s13, v10;
	v48 =	vmul.f32 v22, v63;
	[tilespmem:v42+s9+$0x0] =	vst.idx.msk $0xffff, v25  }
0xcc: {  	v51 =	vor.u32 s14, v8;
	vm1 =	veq.f32 v19, v24;
	v50 =	vmul.f32 v22, v36;
	[tilespmem:v43+s9+$0x0] =	vst.idx.msk $0xffff, v46  }
0xcd: {  	vm0 =	veq.f32 v17, v24;
	v52 =	vsel vm1, $0x7, v9;
	v53 =	vmul.f32 v22, v37;
	[tilespmem:v44+s9+$0x0] =	vst.idx.msk $0xffff, v48  }
0xce: {  	vm2 =	veq.f32 v16, v24;
	v19 =	vsel vm0, $0x6, v52;
	v55 =	vmul.f32 v22, v38;
	[tilespmem:v45+s9+$0x0] =	vst.idx.msk $0xffff, v50  }
0xcf: {  	vm11 =	veq.f32 v15, v24;
	v57 =	vsel vm2, $0x5, v19;
	v58 =	vmul.f32 v22, v39;
	[tilespmem:v47+s9+$0x0] =	vst.idx.msk $0xffff, v53;
	v59 =	vpop (erf)  }
0xd0: {  	vm12 =	veq.f32 v14, v24;
	v60 =	vsel vm11, $0x4, v57;
	[tilespmem:v49+s9+$0x0] =	vst.idx.msk $0xffff, v55;
	v61 =	vmul.f32 v59, v22  }
0xd1: {  	vm13 =	veq.f32 v13, v24;
	v62 =	vsel vm12, $0x3, v60;
	[tilespmem:v51+s9+$0x0] =	vst.idx.msk $0xffff, v58;
	v63 =	vmul.f32 v59, v18  }
0xd2: {  	vm14 =	veq.f32 v11, v24;
	v11 =	vsel vm13, $0x2, v62;
	[tilespmem:v54+s10+$0x0] =	vst.idx.msk $0xffff, v61  }
0xd3: {  	vm15 =	veq.f32 v12, v24;
	v11 =	vsel vm14, $0x1, v11;
	[tilespmem:v56+s10+$0x0] =	vst.idx.msk $0xffff, v63  }
0xd4: {  	v11 =	vsel vm15, $0x0, v11;
	[tilespmem:v54+s11+$0x0] =	vst.idx.msk $0xffff, v20  }
0xd5: {  	[tilespmem:v56+s11+$0x0] =	vst.idx.msk $0xffff, v11  }
0xd6: {  	[hbm4b:s4+s2] =	stream.linear.scatter [tilespmem:s9], [sflag:$0x1], $0x2000, $0x38;
	[tilespmem:$0x5000] =	vst v63  }
0xd7: {  	_ =	swait.ge [sflag:s8], $0x2000  }
0xd8: {  	[sflag:s8] =	ssyncset.done $0x0  }
0xd9: {  	[sflag:s8] =	ssyncadd.s32 $0xFFFFE000  }
0xda: {  	[hbm4b:s5+s2] =	stream.linear.scatter [tilespmem:s10], [sflag:$0x1], $0x800, $0x38;
	[tilespmem:$0x5000] =	vst v63  }
0xdb: {  	s12 =	sadd.s32 $0x1, s12;
	_ =	swait.ge [sflag:s8], $0x800  }
0xdc: {  	p0 =	sne.s32 s12, s7;
	[sflag:s8] =	ssyncset.done $0x0  }
.Ltmp1:
0xdd: {  	[sflag:s8] =	ssyncadd.s32 $0xFFFFF800;
	(pc) =	sbr.rel @p0 .LBB2_1-.Ltmp1, $4  }
0xde: {  	[hbm4b:s6+s2] =	stream.linear.scatter [tilespmem:s11], [sflag:$0x1], $0x800, $0x38;
	[tilespmem:$0x5000] =	vst v63  }
0xdf: {  	_ =	swait.ge [sflag:s8], $0x800  }
0xe0: {  	[sflag:s8] =	ssyncset.done $0x0  }
0xe1: {  	[sflag:s8] =	ssyncadd.s32 $0xFFFFF800  }
0xe2: {  	_ =	sfence.sel $0x180000  }
0xe3: {  	[bflag:$0x0] =	sbarrier.arrive $0xFFFF  }
0xe4: {  	p0 =	sne.s32 s1, $0x0;
	_ =	strace $0x90000047  }
0xe5: {  	s0 =	sadd.s32 @!p0 $0x100000, s0;
	[bflag:$0x2] =	sbarrier.arrive $0xFFFF  }
0xe6: {  	[sflag:s0] =	ssyncadd.tile.s32 @!p0 $0x1;
	_ =	shalt  }
.Lfunc_end2:
_tile_overlayer_lowered:
.L_overlay_start_2:
0xe7: {  	(tag) =	ssettag $0x2  }
0xe8: {  	s0 =	rddreg [dreg:$0x0];
	s2 =	stileid.u32  }
0xe9: {  	s1 =	rddreg [dreg:$0x1];
	p0 =	sne.s32 s2, $0x0  }
0xea: {  	s3 =	rddreg [dreg:$0x2];
	[bflag:$0x3] =	sbarrier.arrive $0xFFFF;
	s2 =	simm.s32 @!p0 $0x1C01  }
0xeb: {  	[timem:s3], [sflag:s2] =	dma.local @!p0 [hbm:s0], s1  }
0xec: {  	s0 =	simm.s32 @!p0 $0x1  }
0xed: {  	_ =	swait.ge @!p0 [sflag:s0], s1  }
0xee: {  	s1 =	ssub.s32 @!p0 $0x0, s1;
	[sflag:s0] =	ssyncset.done @!p0 $0x0  }
0xef: {  	[sflag:s0] =	ssyncadd.s32 @!p0 s1  }
0xf0: {  	[bflag:$0x3] =	sbarrier.arrive $0xFFFF  }
0xf1: {  	_ =	shalt  }

</sc_bundles>
